<compile_context>
chip_gen: v7x
topology: tpu7x:2x2x1
jax: 0.10.2.dev20260603
libtpu: 0.0.44.dev20260713+nightly
codegen_flags: <defaults>
</compile_context>

<pallas_src>
import functools

import jax
import jax.numpy as jnp
from jax import lax
from jax.experimental import pallas as pl
from jax.experimental.pallas import tpu as pltpu
from jax.experimental.pallas import tpu_sc as plsc

NC, NS = 2, 16
NW = NC * NS
CH = 128
HP = lax.Precision.HIGHEST


def _make_segsum(n_pad, e_pad, D, with_counts=False):
    per_w = e_pad // NW
    n_chunks = per_w // CH
    rpt = n_pad // NS
    mesh = plsc.VectorSubcoreMesh(
        core_axis_name="c", subcore_axis_name="s", num_cores=NC, num_subcores=NS
    )
    out_type = [jax.ShapeDtypeStruct((NC, n_pad, D), jnp.float32)]
    scratch = [
        pltpu.VMEM((CH,), jnp.int32),
        pltpu.VMEM((CH,), jnp.int32),
        pltpu.VMEM((CH, D), jnp.float32),
        pltpu.VMEM_SHARED((n_pad, D), jnp.float32),
        pltpu.SemaphoreType.DMA,
    ]
    if with_counts:
        out_type.append(jax.ShapeDtypeStruct((NW, n_pad), jnp.float32))
        scratch.append(pltpu.VMEM((n_pad,), jnp.float32))

    @functools.partial(
        pl.kernel, out_type=tuple(out_type) if with_counts else out_type[0],
        mesh=mesh, scratch_types=scratch,
        compiler_params=pltpu.CompilerParams(needs_layout_passes=False),
    )
    def seg(table, srcs, dsts, zeros, out, *rest):
        if with_counts:
            cnt_out, s_v, d_v, rows_v, acc, sem, cnt_l = rest
        else:
            s_v, d_v, rows_v, acc, sem = rest
        c = lax.axis_index("c")
        s = lax.axis_index("s")
        w = s * NC + c
        pltpu.sync_copy(zeros, acc.at[pl.ds(s * rpt, rpt)])
        if with_counts:
            def zbody(j, carry):
                cnt_l[pl.ds(j * 16, 16)] = jnp.zeros((16,), jnp.float32)
                return carry
            lax.fori_loop(0, n_pad // 16, zbody, 0)
        plsc.subcore_barrier()

        def body(i, carry):
            base = w * per_w + i * CH
            pltpu.sync_copy(srcs.at[pl.ds(base, CH)], s_v)
            pltpu.sync_copy(dsts.at[pl.ds(base, CH)], d_v)
            pltpu.async_copy(table.at[s_v], rows_v, sem).wait()
            pltpu.sync_copy(rows_v, acc.at[d_v], add=True)
            if with_counts:
                one = jnp.full((16,), 1.0, jnp.float32)
                for j in range(CH // 16):
                    plsc.addupdate_scatter(cnt_l, [d_v[pl.ds(j * 16, 16)]], one)
            return carry

        lax.fori_loop(0, n_chunks, body, 0)
        plsc.subcore_barrier()
        pltpu.sync_copy(
            acc.at[pl.ds(s * rpt, rpt)], out.at[c].at[pl.ds(s * rpt, rpt)]
        )
        if with_counts:
            pltpu.sync_copy(cnt_l, cnt_out.at[w])

    return seg


def _tc_call(body, grid, in_specs, out_specs, out_shapes):
    return pl.pallas_call(
        body, grid=grid, in_specs=in_specs, out_specs=out_specs,
        out_shape=out_shapes,
    )


def _full(shape):
    return pl.BlockSpec(shape, lambda i: (0,) * len(shape))


def _rows(m, d):
    return pl.BlockSpec((m, d), lambda i: (i, 0))


def _agg_spec(m, d, n_blocks=NC):
    return pl.BlockSpec((n_blocks, m, d), lambda i: (0, i, 0))


def _stats_body_init(i, refs):
    @pl.when(i == 0)
    def _():
        for r in refs:
            r[...] = jnp.zeros_like(r)


def _bn_relu(o, sum_ref, sq_ref, gamma_ref, beta_ref, n):
    mu = sum_ref[...] * (1.0 / n)
    var = sq_ref[...] * (1.0 / n) - mu * mu
    scale = gamma_ref[...] * lax.rsqrt(var + 1e-5)
    return jnp.maximum((o - mu) * scale + beta_ref[...], 0.0)


def kernel(x, edge_index, W_l1, b_l1, W_r1, gamma1, beta1,
           W_l2, b_l2, W_r2, gamma2, beta2, W_l3, b_l3, W_r3, gamma3, beta3):
    N = x.shape[0]
    E = edge_index.shape[1]
    M = 1000
    R = N // M
    n_pad = ((N + 2047) // 2048) * 2048
    e_pad = ((E + NW * CH - 1) // (NW * CH)) * (NW * CH)

    ei = edge_index.astype(jnp.int32)
    src = jnp.concatenate([ei[0], jnp.zeros((e_pad - E,), jnp.int32)])
    dst = jnp.concatenate([ei[1], jnp.full((e_pad - E,), N, jnp.int32)])

    z128 = jnp.zeros((n_pad // NS, 128), jnp.float32)

    seg_cnt = _make_segsum(n_pad, e_pad, 128, with_counts=True)
    seg128 = _make_segsum(n_pad, e_pad, 128)

    agg1, cnt_p = seg_cnt(x, src, dst, z128)
    cnt = cnt_p.sum(axis=0).reshape(n_pad, 1)[:N]

    def tc1_l1(agg_ref, cnt_ref, x_ref, wl_ref, b_ref, wr_ref,
               out_ref, sum_ref, sq_ref, cinv_ref):
        i = pl.program_id(0)
        agg = agg_ref[0] + agg_ref[1]
        cinv = 1.0 / jnp.maximum(cnt_ref[...], 1.0)
        mean = agg * cinv
        o = (jnp.dot(mean, wl_ref[...], precision=HP, preferred_element_type=jnp.float32)
             + b_ref[...]
             + jnp.dot(x_ref[...], wr_ref[...], precision=HP, preferred_element_type=jnp.float32))
        out_ref[...] = o
        cinv_ref[...] = cinv
        _stats_body_init(i, (sum_ref, sq_ref))
        sum_ref[...] += jnp.sum(o, axis=0, keepdims=True)
        sq_ref[...] += jnp.sum(o * o, axis=0, keepdims=True)

    out1, sum1, sq1, cinv = _tc_call(
        tc1_l1, (R,),
        [_agg_spec(M, 128), _rows(M, 1), _rows(M, 128), _full((128, 512)),
         _full((1, 512)), _full((128, 512))],
        [_rows(M, 512), _full((1, 512)), _full((1, 512)), _rows(M, 1)],
        [jax.ShapeDtypeStruct((N, 512), jnp.float32),
         jax.ShapeDtypeStruct((1, 512), jnp.float32),
         jax.ShapeDtypeStruct((1, 512), jnp.float32),
         jax.ShapeDtypeStruct((N, 1), jnp.float32)],
    )(agg1, cnt, x, W_l1, b_l1.reshape(1, -1), W_r1)

    def tc2_l1(o_ref, sum_ref, sq_ref, g_ref, be_ref, wl_ref, wr_ref,
               pa_ref, pb_ref, r_ref):
        h = _bn_relu(o_ref[...], sum_ref, sq_ref, g_ref, be_ref, float(N))
        p = jnp.dot(h, wl_ref[...], precision=HP, preferred_element_type=jnp.float32)
        pa_ref[...] = p[:, :128]
        pb_ref[...] = p[:, 128:]
        r_ref[...] = jnp.dot(h, wr_ref[...], precision=HP, preferred_element_type=jnp.float32)

    p2a, p2b, r2 = _tc_call(
        tc2_l1, (R,),
        [_rows(M, 512), _full((1, 512)), _full((1, 512)), _full((1, 512)),
         _full((1, 512)), _full((512, 256)), _full((512, 256))],
        [_rows(M, 128), _rows(M, 128), _rows(M, 256)],
        [jax.ShapeDtypeStruct((N, 128), jnp.float32),
         jax.ShapeDtypeStruct((N, 128), jnp.float32),
         jax.ShapeDtypeStruct((N, 256), jnp.float32)],
    )(out1, sum1, sq1, gamma1.reshape(1, -1), beta1.reshape(1, -1), W_l2, W_r2)

    agg2a = seg128(p2a, src, dst, z128)
    agg2b = seg128(p2b, src, dst, z128)

    def tc1_l2(aa_ref, ab_ref, cinv_ref, r_ref, b_ref, out_ref, sum_ref,
               sq_ref):
        i = pl.program_id(0)
        cinv = cinv_ref[...]
        a = (aa_ref[0] + aa_ref[1]) * cinv
        b2 = (ab_ref[0] + ab_ref[1]) * cinv
        o = jnp.concatenate([a, b2], axis=1) + b_ref[...] + r_ref[...]
        out_ref[...] = o
        _stats_body_init(i, (sum_ref, sq_ref))
        sum_ref[...] += jnp.sum(o, axis=0, keepdims=True)
        sq_ref[...] += jnp.sum(o * o, axis=0, keepdims=True)

    out2, sum2, sq2 = _tc_call(
        tc1_l2, (R,),
        [_agg_spec(M, 128), _agg_spec(M, 128), _rows(M, 1), _rows(M, 256),
         _full((1, 256))],
        [_rows(M, 256), _full((1, 256)), _full((1, 256))],
        [jax.ShapeDtypeStruct((N, 256), jnp.float32),
         jax.ShapeDtypeStruct((1, 256), jnp.float32),
         jax.ShapeDtypeStruct((1, 256), jnp.float32)],
    )(agg2a, agg2b, cinv, r2, b_l2.reshape(1, -1))

    def tc2_l2(o_ref, sum_ref, sq_ref, g_ref, be_ref, wl_ref, wr_ref,
               p_ref, r_ref):
        h = _bn_relu(o_ref[...], sum_ref, sq_ref, g_ref, be_ref, float(N))
        p_ref[...] = jnp.dot(h, wl_ref[...], precision=HP, preferred_element_type=jnp.float32)
        r_ref[...] = jnp.dot(h, wr_ref[...], precision=HP, preferred_element_type=jnp.float32)

    p3, r3 = _tc_call(
        tc2_l2, (R,),
        [_rows(M, 256), _full((1, 256)), _full((1, 256)), _full((1, 256)),
         _full((1, 256)), _full((256, 128)), _full((256, 128))],
        [_rows(M, 128), _rows(M, 128)],
        [jax.ShapeDtypeStruct((N, 128), jnp.float32),
         jax.ShapeDtypeStruct((N, 128), jnp.float32)],
    )(out2, sum2, sq2, gamma2.reshape(1, -1), beta2.reshape(1, -1), W_l3, W_r3)

    agg3 = seg128(p3, src, dst, z128)

    def tc1_l3(a_ref, cinv_ref, r_ref, b_ref, out_ref, sum_ref, sq_ref):
        i = pl.program_id(0)
        o = (a_ref[0] + a_ref[1]) * cinv_ref[...] + b_ref[...] + r_ref[...]
        out_ref[...] = o
        _stats_body_init(i, (sum_ref, sq_ref))
        sum_ref[...] += jnp.sum(o, axis=0, keepdims=True)
        sq_ref[...] += jnp.sum(o * o, axis=0, keepdims=True)

    out3, sum3, sq3 = _tc_call(
        tc1_l3, (R,),
        [_agg_spec(M, 128), _rows(M, 1), _rows(M, 128), _full((1, 128))],
        [_rows(M, 128), _full((1, 128)), _full((1, 128))],
        [jax.ShapeDtypeStruct((N, 128), jnp.float32),
         jax.ShapeDtypeStruct((1, 128), jnp.float32),
         jax.ShapeDtypeStruct((1, 128), jnp.float32)],
    )(agg3, cinv, r3, b_l3.reshape(1, -1))

    def tc2_l3(o_ref, sum_ref, sq_ref, g_ref, be_ref, h_ref):
        h_ref[...] = _bn_relu(o_ref[...], sum_ref, sq_ref, g_ref, be_ref, float(N))

    h3 = _tc_call(
        tc2_l3, (R,),
        [_rows(M, 128), _full((1, 128)), _full((1, 128)), _full((1, 128)),
         _full((1, 128))],
        [_rows(M, 128)],
        [jax.ShapeDtypeStruct((N, 128), jnp.float32)],
    )(out3, sum3, sq3, gamma3.reshape(1, -1), beta3.reshape(1, -1))[0]

    return h3

# --- scband reference (transcript-rebuilt; emitter-appended) ---
"""Pipeline reference for scband-cell-graph-sage-17635135717841 (READ-ONLY COPY).

The authoritative reference and input builder live on the scoring server;
editing this copy changes nothing except your own understanding.
"""

import jax, jax.numpy as jnp
import numpy as np


def _glorot(key, shape):
    fan_in, fan_out = shape
    lim = (6.0 / (fan_in + fan_out)) ** 0.5
    return jax.random.uniform(key, shape, jnp.float32, -lim, lim)


def setup_inputs(seed: int = 0) -> dict:
    key = jax.random.key(seed)
    ks = jax.random.split(key, 16)
    N, E = 10000, 320000
    dims = [128, 512, 256, 128]
    inp = {}
    inp["x"] = jax.random.normal(ks[0], (N, dims[0]), dtype=jnp.float32)
    inp["edge_index"] = jax.random.randint(ks[1], (2, E), 0, N, dtype=jnp.int32).astype(jnp.int64)
    k = 2
    for i in range(3):
        din, dout = dims[i], dims[i + 1]
        inp[f"W_l{i+1}"] = _glorot(ks[k], (din, dout)); k += 1
        inp[f"b_l{i+1}"] = jnp.zeros((dout,), jnp.float32)
        inp[f"W_r{i+1}"] = _glorot(ks[k], (din, dout)); k += 1
        inp[f"gamma{i+1}"] = jnp.ones((dout,), jnp.float32)
        inp[f"beta{i+1}"] = jnp.zeros((dout,), jnp.float32)
    return inp


def _sage_layer(h, src, dst, Wl, bl, Wr, gamma, beta):
    # PyG SAGEConv(aggr='mean'): out = lin_l(mean_{j in N(i)} x_j) + lin_r(x_i)
    N = h.shape[0]
    msg = jnp.take(h, src, axis=0)                                   # gather source features
    agg = jax.ops.segment_sum(msg, dst, num_segments=N)              # scatter-add by dst
    cnt = jax.ops.segment_sum(jnp.ones((src.shape[0],), h.dtype), dst, num_segments=N)
    mean = agg / jnp.clip(cnt, 1.0, None)[:, None]
    out = mean @ Wl + bl + h @ Wr
    # BatchNorm1d (batch-statistics / training-mode math, biased variance as in torch)
    mu = out.mean(axis=0)
    var = out.var(axis=0)
    out = (out - mu) / jnp.sqrt(var + 1e-5) * gamma + beta
    # dropout is a no-op in eval / deterministic reference
    return jax.nn.relu(out)


def reference(x, edge_index, W_l1, b_l1, W_r1, gamma1, beta1, W_l2, b_l2, W_r2, gamma2, beta2, W_l3, b_l3, W_r3, gamma3, beta3):
    src = edge_index[0]
    dst = edge_index[1]
    h = _sage_layer(x, src, dst, W_l1, b_l1, W_r1, gamma1, beta1)
    h = _sage_layer(h, src, dst, W_l2, b_l2, W_r2, gamma2, beta2)
    h = _sage_layer(h, src, dst, W_l3, b_l3, W_r3, gamma3, beta3)
    return h

if __name__ == "__main__":
    import jax
    _d = setup_inputs()
    print(jax.jit(kernel)(*tuple(_d.values())))

</pallas_src>

<mosaic_0001>
#map = affine_map<(d0, d1) -> (0, 0)>
#map1 = affine_map<(d0, d1) -> (0)>
#map2 = affine_map<(d0, d1) -> (0, 0, 0)>
module attributes {stable_mosaic.version = 14 : i64} {
  func.func @seg(%arg0: i32, %arg1: i32, %arg2: memref<10000x128xf32, #tpu.memory_space<hbm>>, %arg3: memref<323584xi32, #tpu.memory_space<hbm>>, %arg4: memref<323584xi32, #tpu.memory_space<hbm>>, %arg5: memref<640x128xf32, #tpu.memory_space<hbm>>, %arg6: memref<2x10240x128xf32, #tpu.memory_space<hbm>>, %arg7: memref<128xi32, #tpu.memory_space<vmem>>, %arg8: memref<128xi32, #tpu.memory_space<vmem>>, %arg9: memref<128x128xf32, #tpu.memory_space<vmem>>, %arg10: memref<10240x128xf32, #tpu.memory_space<vmem_shared>>, %arg11: memref<!tpu.dma_semaphore, #tpu.memory_space<semaphore_mem>>) attributes {dimension_semantics = [#tpu.dimension_semantics<core_parallel>, #tpu.dimension_semantics<subcore_parallel>], iteration_bounds = array<i64: 2, 16>, scalar_prefetch = 0 : i64, scratch_operands = 5 : i64, tpu.core_type = #tpu.core_type<sc_vector_subcore>, window_params = [{transform_indices = #map}, {transform_indices = #map1}, {transform_indices = #map1}, {transform_indices = #map}, {transform_indices = #map2}]} {
    %mul3A = arith.constant 2 : i32
    %mul3A_0 = arith.muli %arg1, %mul3A : i32
    %add3A = arith.addi %mul3A_0, %arg0 : i32
    %mul3A_1 = arith.constant 640 : i32
    %mul3A_2 = arith.muli %arg1, %mul3A_1 : i32
    "tpu.region"() ({
      %run_scoped3A = tpu.sem_alloc : memref<!tpu.dma_semaphore, #tpu.memory_space<semaphore_mem>>
      %dma_start3A = arith.constant 0 : i32
      %dma_start3A_13 = tpu.memref_slice %arg10[%mul3A_2, %dma_start3A] : memref<10240x128xf32, #tpu.memory_space<vmem_shared>> -> memref<640x128xf32, #tpu.memory_space<vmem_shared>>
      tpu.enqueue_dma source(%arg5 : memref<640x128xf32, #tpu.memory_space<hbm>>) target(%dma_start3A_13 : memref<640x128xf32, #tpu.memory_space<vmem_shared>>) target_semaphore(%run_scoped3A : memref<!tpu.dma_semaphore, #tpu.memory_space<semaphore_mem>>)
      %dma_wait3A = arith.constant 0 : i32
      %dma_wait3A_14 = tpu.memref_slice %arg10[%mul3A_2, %dma_wait3A] : memref<10240x128xf32, #tpu.memory_space<vmem_shared>> -> memref<640x128xf32, #tpu.memory_space<vmem_shared>>
      tpu.wait_dma2 semaphore(%run_scoped3A : memref<!tpu.dma_semaphore, #tpu.memory_space<semaphore_mem>>) src(%arg5 : memref<640x128xf32, #tpu.memory_space<hbm>>) dst(%dma_wait3A_14 : memref<640x128xf32, #tpu.memory_space<vmem_shared>>)
      tpu.yield
    }) : () -> ()
    %barrier3A = arith.constant 0 : index
    tpu.barrier barrier_id(%barrier3A)
    %scan3A = arith.constant 0 : i32
    %scan3A_3 = arith.constant 0 : i32
    %scan3A_4 = arith.constant 79 : i32
    %scan3A_5 = arith.addi %scan3A_3, %scan3A_4 : i32
    %scan3A_6 = arith.constant 1 : i32
    scf.for %scan3A_13 = %scan3A_3 to %scan3A_5 step %scan3A_6  : i32 {
      %mul3A_14 = arith.constant 10112 : i32
      %mul3A_15 = arith.muli %add3A, %mul3A_14 : i32
      %mul3A_16 = arith.constant 128 : i32
      %mul3A_17 = arith.muli %scan3A_13, %mul3A_16 : i32
      %add3A_18 = arith.addi %mul3A_15, %mul3A_17 : i32
      "tpu.region"() ({
        %run_scoped3A = tpu.sem_alloc : memref<!tpu.dma_semaphore, #tpu.memory_space<semaphore_mem>>
        %dma_start3A_23 = tpu.memref_slice %arg3[%add3A_18] : memref<323584xi32, #tpu.memory_space<hbm>> -> memref<128xi32, #tpu.memory_space<hbm>>
        %dma_start3A_24 = tpu.memref_slice %arg3[%add3A_18] : memref<323584xi32, #tpu.memory_space<hbm>> -> memref<128xi32, #tpu.memory_space<hbm>>
        tpu.enqueue_dma source(%dma_start3A_24 : memref<128xi32, #tpu.memory_space<hbm>>) target(%arg7 : memref<128xi32, #tpu.memory_space<vmem>>) target_semaphore(%run_scoped3A : memref<!tpu.dma_semaphore, #tpu.memory_space<semaphore_mem>>)
        %dma_wait3A_25 = tpu.memref_slice %arg3[%add3A_18] : memref<323584xi32, #tpu.memory_space<hbm>> -> memref<128xi32, #tpu.memory_space<hbm>>
        %dma_wait3A_26 = tpu.memref_slice %arg3[%add3A_18] : memref<323584xi32, #tpu.memory_space<hbm>> -> memref<128xi32, #tpu.memory_space<hbm>>
        tpu.wait_dma2 semaphore(%run_scoped3A : memref<!tpu.dma_semaphore, #tpu.memory_space<semaphore_mem>>) src(%dma_wait3A_26 : memref<128xi32, #tpu.memory_space<hbm>>) dst(%arg7 : memref<128xi32, #tpu.memory_space<vmem>>)
        tpu.yield
      }) : () -> ()
      "tpu.region"() ({
        %run_scoped3A = tpu.sem_alloc : memref<!tpu.dma_semaphore, #tpu.memory_space<semaphore_mem>>
        %dma_start3A_23 = tpu.memref_slice %arg4[%add3A_18] : memref<323584xi32, #tpu.memory_space<hbm>> -> memref<128xi32, #tpu.memory_space<hbm>>
        %dma_start3A_24 = tpu.memref_slice %arg4[%add3A_18] : memref<323584xi32, #tpu.memory_space<hbm>> -> memref<128xi32, #tpu.memory_space<hbm>>
        tpu.enqueue_dma source(%dma_start3A_24 : memref<128xi32, #tpu.memory_space<hbm>>) target(%arg8 : memref<128xi32, #tpu.memory_space<vmem>>) target_semaphore(%run_scoped3A : memref<!tpu.dma_semaphore, #tpu.memory_space<semaphore_mem>>)
        %dma_wait3A_25 = tpu.memref_slice %arg4[%add3A_18] : memref<323584xi32, #tpu.memory_space<hbm>> -> memref<128xi32, #tpu.memory_space<hbm>>
        %dma_wait3A_26 = tpu.memref_slice %arg4[%add3A_18] : memref<323584xi32, #tpu.memory_space<hbm>> -> memref<128xi32, #tpu.memory_space<hbm>>
        tpu.wait_dma2 semaphore(%run_scoped3A : memref<!tpu.dma_semaphore, #tpu.memory_space<semaphore_mem>>) src(%dma_wait3A_26 : memref<128xi32, #tpu.memory_space<hbm>>) dst(%arg8 : memref<128xi32, #tpu.memory_space<vmem>>)
        tpu.yield
      }) : () -> ()
      %dma_start3A = arith.constant 0 : i32
      %dma_start3A_19 = arith.constant 0 : i32
      %dma_start3A_20 = tpu.memref_slice %arg2[%dma_start3A, %dma_start3A_19] : memref<10000x128xf32, #tpu.memory_space<hbm>> -> memref<10000x128xf32, #tpu.memory_space<hbm>>
      tpu.enqueue_indirect_dma source(%dma_start3A_20 : memref<10000x128xf32, #tpu.memory_space<hbm>>) target(%arg9 : memref<128x128xf32, #tpu.memory_space<vmem>>) offsets(%arg7 : memref<128xi32, #tpu.memory_space<vmem>>) semaphore(%arg11 : memref<!tpu.dma_semaphore, #tpu.memory_space<semaphore_mem>>)
      %dma_wait3A = arith.constant 0 : i32
      %dma_wait3A_21 = arith.constant 0 : i32
      %dma_wait3A_22 = tpu.memref_slice %arg2[%dma_wait3A, %dma_wait3A_21] : memref<10000x128xf32, #tpu.memory_space<hbm>> -> memref<10000x128xf32, #tpu.memory_space<hbm>>
      tpu.wait_indirect_dma semaphore(%arg11 : memref<!tpu.dma_semaphore, #tpu.memory_space<semaphore_mem>>) src(%dma_wait3A_22 : memref<10000x128xf32, #tpu.memory_space<hbm>>) dst(%arg9 : memref<128x128xf32, #tpu.memory_space<vmem>>)
      "tpu.region"() ({
        %run_scoped3A = tpu.sem_alloc : memref<!tpu.dma_semaphore, #tpu.memory_space<semaphore_mem>>
        %dma_start3A_23 = arith.constant 0 : i32
        %dma_start3A_24 = arith.constant 0 : i32
        %dma_start3A_25 = tpu.memref_slice %arg10[%dma_start3A_23, %dma_start3A_24] : memref<10240x128xf32, #tpu.memory_space<vmem_shared>> -> memref<10240x128xf32, #tpu.memory_space<vmem_shared>>
        tpu.enqueue_indirect_dma source(%arg9 : memref<128x128xf32, #tpu.memory_space<vmem>>) target(%dma_start3A_25 : memref<10240x128xf32, #tpu.memory_space<vmem_shared>>) offsets(%arg8 : memref<128xi32, #tpu.memory_space<vmem>>) semaphore(%run_scoped3A : memref<!tpu.dma_semaphore, #tpu.memory_space<semaphore_mem>>) {add = true}
        %dma_wait3A_26 = arith.constant 0 : i32
        %dma_wait3A_27 = arith.constant 0 : i32
        %dma_wait3A_28 = tpu.memref_slice %arg10[%dma_wait3A_26, %dma_wait3A_27] : memref<10240x128xf32, #tpu.memory_space<vmem_shared>> -> memref<10240x128xf32, #tpu.memory_space<vmem_shared>>
        tpu.wait_indirect_dma semaphore(%run_scoped3A : memref<!tpu.dma_semaphore, #tpu.memory_space<semaphore_mem>>) src(%arg9 : memref<128x128xf32, #tpu.memory_space<vmem>>) dst(%dma_wait3A_28 : memref<10240x128xf32, #tpu.memory_space<vmem_shared>>)
        tpu.yield
      }) : () -> ()
    }
    %scan3A_7 = arith.constant 79 : i32
    %barrier3A_8 = arith.constant 0 : index
    tpu.barrier barrier_id(%barrier3A_8)
    %mul3A_9 = arith.constant 640 : i32
    %mul3A_10 = arith.muli %arg1, %mul3A_9 : i32
    %mul3A_11 = arith.constant 640 : i32
    %mul3A_12 = arith.muli %arg1, %mul3A_11 : i32
    "tpu.region"() ({
      %run_scoped3A = tpu.sem_alloc : memref<!tpu.dma_semaphore, #tpu.memory_space<semaphore_mem>>
      %dma_start3A = arith.constant 0 : i32
      %dma_start3A_13 = arith.constant 0 : i32
      %dma_start3A_14 = tpu.memref_slice %arg6[%arg0, %dma_start3A, %dma_start3A_13] : memref<2x10240x128xf32, #tpu.memory_space<hbm>> -> memref<1x10240x128xf32, #tpu.memory_space<hbm>>
      %dma_start3A_15 = tpu.memref_squeeze %dma_start3A_14 : memref<1x10240x128xf32, #tpu.memory_space<hbm>> -> memref<10240x128xf32, #tpu.memory_space<hbm>>
      %dma_start3A_16 = arith.constant 0 : i32
      %dma_start3A_17 = tpu.memref_slice %dma_start3A_15[%mul3A_12, %dma_start3A_16] : memref<10240x128xf32, #tpu.memory_space<hbm>> -> memref<640x128xf32, #tpu.memory_space<hbm>>
      %dma_start3A_18 = arith.constant 0 : i32
      %dma_start3A_19 = tpu.memref_slice %arg10[%mul3A_10, %dma_start3A_18] : memref<10240x128xf32, #tpu.memory_space<vmem_shared>> -> memref<640x128xf32, #tpu.memory_space<vmem_shared>>
      tpu.enqueue_dma source(%dma_start3A_19 : memref<640x128xf32, #tpu.memory_space<vmem_shared>>) target(%dma_start3A_17 : memref<640x128xf32, #tpu.memory_space<hbm>>) target_semaphore(%run_scoped3A : memref<!tpu.dma_semaphore, #tpu.memory_space<semaphore_mem>>)
      %dma_wait3A = arith.constant 0 : i32
      %dma_wait3A_20 = arith.constant 0 : i32
      %dma_wait3A_21 = tpu.memref_slice %arg6[%arg0, %dma_wait3A, %dma_wait3A_20] : memref<2x10240x128xf32, #tpu.memory_space<hbm>> -> memref<1x10240x128xf32, #tpu.memory_space<hbm>>
      %dma_wait3A_22 = tpu.memref_squeeze %dma_wait3A_21 : memref<1x10240x128xf32, #tpu.memory_space<hbm>> -> memref<10240x128xf32, #tpu.memory_space<hbm>>
      %dma_wait3A_23 = arith.constant 0 : i32
      %dma_wait3A_24 = tpu.memref_slice %dma_wait3A_22[%mul3A_12, %dma_wait3A_23] : memref<10240x128xf32, #tpu.memory_space<hbm>> -> memref<640x128xf32, #tpu.memory_space<hbm>>
      %dma_wait3A_25 = arith.constant 0 : i32
      %dma_wait3A_26 = tpu.memref_slice %arg10[%mul3A_10, %dma_wait3A_25] : memref<10240x128xf32, #tpu.memory_space<vmem_shared>> -> memref<640x128xf32, #tpu.memory_space<vmem_shared>>
      tpu.wait_dma2 semaphore(%run_scoped3A : memref<!tpu.dma_semaphore, #tpu.memory_space<semaphore_mem>>) src(%dma_wait3A_26 : memref<640x128xf32, #tpu.memory_space<vmem_shared>>) dst(%dma_wait3A_24 : memref<640x128xf32, #tpu.memory_space<hbm>>)
      tpu.yield
    }) : () -> ()
    return
  }
}

#map = affine_map<(d0, d1) -> (0, 0)>
#map1 = affine_map<(d0, d1) -> (0)>
#map2 = affine_map<(d0, d1) -> (0, 0, 0)>
module attributes {stable_mosaic.version = 14 : i64} {
  func.func @seg(%arg0: i32, %arg1: i32, %arg2: memref<10000x128xf32, #tpu.memory_space<hbm>>, %arg3: memref<323584xi32, #tpu.memory_space<hbm>>, %arg4: memref<323584xi32, #tpu.memory_space<hbm>>, %arg5: memref<640x128xf32, #tpu.memory_space<hbm>>, %arg6: memref<2x10240x128xf32, #tpu.memory_space<hbm>>, %arg7: memref<128xi32, #tpu.memory_space<vmem>>, %arg8: memref<128xi32, #tpu.memory_space<vmem>>, %arg9: memref<128x128xf32, #tpu.memory_space<vmem>>, %arg10: memref<10240x128xf32, #tpu.memory_space<vmem_shared>>, %arg11: memref<!tpu.dma_semaphore, #tpu.memory_space<semaphore_mem>>) attributes {dimension_semantics = [#tpu.dimension_semantics<core_parallel>, #tpu.dimension_semantics<subcore_parallel>], iteration_bounds = array<i64: 2, 16>, scalar_prefetch = 0 : i64, scratch_operands = 5 : i64, tpu.core_type = #tpu.core_type<sc_vector_subcore>, window_params = [{transform_indices = #map}, {transform_indices = #map1}, {transform_indices = #map1}, {transform_indices = #map}, {transform_indices = #map2}]} {
    %mul3A = arith.constant 2 : i32
    %mul3A_0 = arith.muli %arg1, %mul3A : i32
    %add3A = arith.addi %mul3A_0, %arg0 : i32
    %mul3A_1 = arith.constant 640 : i32
    %mul3A_2 = arith.muli %arg1, %mul3A_1 : i32
    "tpu.region"() ({
      %run_scoped3A = tpu.sem_alloc : memref<!tpu.dma_semaphore, #tpu.memory_space<semaphore_mem>>
      %dma_start3A = arith.constant 0 : i32
      %dma_start3A_13 = tpu.memref_slice %arg10[%mul3A_2, %dma_start3A] : memref<10240x128xf32, #tpu.memory_space<vmem_shared>> -> memref<640x128xf32, #tpu.memory_space<vmem_shared>>
      tpu.enqueue_dma source(%arg5 : memref<640x128xf32, #tpu.memory_space<hbm>>) target(%dma_start3A_13 : memref<640x128xf32, #tpu.memory_space<vmem_shared>>) target_semaphore(%run_scoped3A : memref<!tpu.dma_semaphore, #tpu.memory_space<semaphore_mem>>)
      %dma_wait3A = arith.constant 0 : i32
      %dma_wait3A_14 = tpu.memref_slice %arg10[%mul3A_2, %dma_wait3A] : memref<10240x128xf32, #tpu.memory_space<vmem_shared>> -> memref<640x128xf32, #tpu.memory_space<vmem_shared>>
      tpu.wait_dma2 semaphore(%run_scoped3A : memref<!tpu.dma_semaphore, #tpu.memory_space<semaphore_mem>>) src(%arg5 : memref<640x128xf32, #tpu.memory_space<hbm>>) dst(%dma_wait3A_14 : memref<640x128xf32, #tpu.memory_space<vmem_shared>>)
      tpu.yield
    }) : () -> ()
    %barrier3A = arith.constant 0 : index
    tpu.barrier barrier_id(%barrier3A)
    %scan3A = arith.constant 0 : i32
    %scan3A_3 = arith.constant 0 : i32
    %scan3A_4 = arith.constant 79 : i32
    %scan3A_5 = arith.addi %scan3A_3, %scan3A_4 : i32
    %scan3A_6 = arith.constant 1 : i32
    scf.for %scan3A_13 = %scan3A_3 to %scan3A_5 step %scan3A_6  : i32 {
      %mul3A_14 = arith.constant 10112 : i32
      %mul3A_15 = arith.muli %add3A, %mul3A_14 : i32
      %mul3A_16 = arith.constant 128 : i32
      %mul3A_17 = arith.muli %scan3A_13, %mul3A_16 : i32
      %add3A_18 = arith.addi %mul3A_15, %mul3A_17 : i32
      "tpu.region"() ({
        %run_scoped3A = tpu.sem_alloc : memref<!tpu.dma_semaphore, #tpu.memory_space<semaphore_mem>>
        %dma_start3A_23 = tpu.memref_slice %arg3[%add3A_18] : memref<323584xi32, #tpu.memory_space<hbm>> -> memref<128xi32, #tpu.memory_space<hbm>>
        %dma_start3A_24 = tpu.memref_slice %arg3[%add3A_18] : memref<323584xi32, #tpu.memory_space<hbm>> -> memref<128xi32, #tpu.memory_space<hbm>>
        tpu.enqueue_dma source(%dma_start3A_24 : memref<128xi32, #tpu.memory_space<hbm>>) target(%arg7 : memref<128xi32, #tpu.memory_space<vmem>>) target_semaphore(%run_scoped3A : memref<!tpu.dma_semaphore, #tpu.memory_space<semaphore_mem>>)
        %dma_wait3A_25 = tpu.memref_slice %arg3[%add3A_18] : memref<323584xi32, #tpu.memory_space<hbm>> -> memref<128xi32, #tpu.memory_space<hbm>>
        %dma_wait3A_26 = tpu.memref_slice %arg3[%add3A_18] : memref<323584xi32, #tpu.memory_space<hbm>> -> memref<128xi32, #tpu.memory_space<hbm>>
        tpu.wait_dma2 semaphore(%run_scoped3A : memref<!tpu.dma_semaphore, #tpu.memory_space<semaphore_mem>>) src(%dma_wait3A_26 : memref<128xi32, #tpu.memory_space<hbm>>) dst(%arg7 : memref<128xi32, #tpu.memory_space<vmem>>)
        tpu.yield
      }) : () -> ()
      "tpu.region"() ({
        %run_scoped3A = tpu.sem_alloc : memref<!tpu.dma_semaphore, #tpu.memory_space<semaphore_mem>>
        %dma_start3A_23 = tpu.memref_slice %arg4[%add3A_18] : memref<323584xi32, #tpu.memory_space<hbm>> -> memref<128xi32, #tpu.memory_space<hbm>>
        %dma_start3A_24 = tpu.memref_slice %arg4[%add3A_18] : memref<323584xi32, #tpu.memory_space<hbm>> -> memref<128xi32, #tpu.memory_space<hbm>>
        tpu.enqueue_dma source(%dma_start3A_24 : memref<128xi32, #tpu.memory_space<hbm>>) target(%arg8 : memref<128xi32, #tpu.memory_space<vmem>>) target_semaphore(%run_scoped3A : memref<!tpu.dma_semaphore, #tpu.memory_space<semaphore_mem>>)
        %dma_wait3A_25 = tpu.memref_slice %arg4[%add3A_18] : memref<323584xi32, #tpu.memory_space<hbm>> -> memref<128xi32, #tpu.memory_space<hbm>>
        %dma_wait3A_26 = tpu.memref_slice %arg4[%add3A_18] : memref<323584xi32, #tpu.memory_space<hbm>> -> memref<128xi32, #tpu.memory_space<hbm>>
        tpu.wait_dma2 semaphore(%run_scoped3A : memref<!tpu.dma_semaphore, #tpu.memory_space<semaphore_mem>>) src(%dma_wait3A_26 : memref<128xi32, #tpu.memory_space<hbm>>) dst(%arg8 : memref<128xi32, #tpu.memory_space<vmem>>)
        tpu.yield
      }) : () -> ()
      %dma_start3A = arith.constant 0 : i32
      %dma_start3A_19 = arith.constant 0 : i32
      %dma_start3A_20 = tpu.memref_slice %arg2[%dma_start3A, %dma_start3A_19] : memref<10000x128xf32, #tpu.memory_space<hbm>> -> memref<10000x128xf32, #tpu.memory_space<hbm>>
      tpu.enqueue_indirect_dma source(%dma_start3A_20 : memref<10000x128xf32, #tpu.memory_space<hbm>>) target(%arg9 : memref<128x128xf32, #tpu.memory_space<vmem>>) offsets(%arg7 : memref<128xi32, #tpu.memory_space<vmem>>) semaphore(%arg11 : memref<!tpu.dma_semaphore, #tpu.memory_space<semaphore_mem>>)
      %dma_wait3A = arith.constant 0 : i32
      %dma_wait3A_21 = arith.constant 0 : i32
      %dma_wait3A_22 = tpu.memref_slice %arg2[%dma_wait3A, %dma_wait3A_21] : memref<10000x128xf32, #tpu.memory_space<hbm>> -> memref<10000x128xf32, #tpu.memory_space<hbm>>
      tpu.wait_indirect_dma semaphore(%arg11 : memref<!tpu.dma_semaphore, #tpu.memory_space<semaphore_mem>>) src(%dma_wait3A_22 : memref<10000x128xf32, #tpu.memory_space<hbm>>) dst(%arg9 : memref<128x128xf32, #tpu.memory_space<vmem>>)
      "tpu.region"() ({
        %run_scoped3A = tpu.sem_alloc : memref<!tpu.dma_semaphore, #tpu.memory_space<semaphore_mem>>
        %dma_start3A_23 = arith.constant 0 : i32
        %dma_start3A_24 = arith.constant 0 : i32
        %dma_start3A_25 = tpu.memref_slice %arg10[%dma_start3A_23, %dma_start3A_24] : memref<10240x128xf32, #tpu.memory_space<vmem_shared>> -> memref<10240x128xf32, #tpu.memory_space<vmem_shared>>
        tpu.enqueue_indirect_dma source(%arg9 : memref<128x128xf32, #tpu.memory_space<vmem>>) target(%dma_start3A_25 : memref<10240x128xf32, #tpu.memory_space<vmem_shared>>) offsets(%arg8 : memref<128xi32, #tpu.memory_space<vmem>>) semaphore(%run_scoped3A : memref<!tpu.dma_semaphore, #tpu.memory_space<semaphore_mem>>) {add = true}
        %dma_wait3A_26 = arith.constant 0 : i32
        %dma_wait3A_27 = arith.constant 0 : i32
        %dma_wait3A_28 = tpu.memref_slice %arg10[%dma_wait3A_26, %dma_wait3A_27] : memref<10240x128xf32, #tpu.memory_space<vmem_shared>> -> memref<10240x128xf32, #tpu.memory_space<vmem_shared>>
        tpu.wait_indirect_dma semaphore(%run_scoped3A : memref<!tpu.dma_semaphore, #tpu.memory_space<semaphore_mem>>) src(%arg9 : memref<128x128xf32, #tpu.memory_space<vmem>>) dst(%dma_wait3A_28 : memref<10240x128xf32, #tpu.memory_space<vmem_shared>>)
        tpu.yield
      }) : () -> ()
    }
    %scan3A_7 = arith.constant 79 : i32
    %barrier3A_8 = arith.constant 0 : index
    tpu.barrier barrier_id(%barrier3A_8)
    %mul3A_9 = arith.constant 640 : i32
    %mul3A_10 = arith.muli %arg1, %mul3A_9 : i32
    %mul3A_11 = arith.constant 640 : i32
    %mul3A_12 = arith.muli %arg1, %mul3A_11 : i32
    "tpu.region"() ({
      %run_scoped3A = tpu.sem_alloc : memref<!tpu.dma_semaphore, #tpu.memory_space<semaphore_mem>>
      %dma_start3A = arith.constant 0 : i32
      %dma_start3A_13 = arith.constant 0 : i32
      %dma_start3A_14 = tpu.memref_slice %arg6[%arg0, %dma_start3A, %dma_start3A_13] : memref<2x10240x128xf32, #tpu.memory_space<hbm>> -> memref<1x10240x128xf32, #tpu.memory_space<hbm>>
      %dma_start3A_15 = tpu.memref_squeeze %dma_start3A_14 : memref<1x10240x128xf32, #tpu.memory_space<hbm>> -> memref<10240x128xf32, #tpu.memory_space<hbm>>
      %dma_start3A_16 = arith.constant 0 : i32
      %dma_start3A_17 = tpu.memref_slice %dma_start3A_15[%mul3A_12, %dma_start3A_16] : memref<10240x128xf32, #tpu.memory_space<hbm>> -> memref<640x128xf32, #tpu.memory_space<hbm>>
      %dma_start3A_18 = arith.constant 0 : i32
      %dma_start3A_19 = tpu.memref_slice %arg10[%mul3A_10, %dma_start3A_18] : memref<10240x128xf32, #tpu.memory_space<vmem_shared>> -> memref<640x128xf32, #tpu.memory_space<vmem_shared>>
      tpu.enqueue_dma source(%dma_start3A_19 : memref<640x128xf32, #tpu.memory_space<vmem_shared>>) target(%dma_start3A_17 : memref<640x128xf32, #tpu.memory_space<hbm>>) target_semaphore(%run_scoped3A : memref<!tpu.dma_semaphore, #tpu.memory_space<semaphore_mem>>)
      %dma_wait3A = arith.constant 0 : i32
      %dma_wait3A_20 = arith.constant 0 : i32
      %dma_wait3A_21 = tpu.memref_slice %arg6[%arg0, %dma_wait3A, %dma_wait3A_20] : memref<2x10240x128xf32, #tpu.memory_space<hbm>> -> memref<1x10240x128xf32, #tpu.memory_space<hbm>>
      %dma_wait3A_22 = tpu.memref_squeeze %dma_wait3A_21 : memref<1x10240x128xf32, #tpu.memory_space<hbm>> -> memref<10240x128xf32, #tpu.memory_space<hbm>>
      %dma_wait3A_23 = arith.constant 0 : i32
      %dma_wait3A_24 = tpu.memref_slice %dma_wait3A_22[%mul3A_12, %dma_wait3A_23] : memref<10240x128xf32, #tpu.memory_space<hbm>> -> memref<640x128xf32, #tpu.memory_space<hbm>>
      %dma_wait3A_25 = arith.constant 0 : i32
      %dma_wait3A_26 = tpu.memref_slice %arg10[%mul3A_10, %dma_wait3A_25] : memref<10240x128xf32, #tpu.memory_space<vmem_shared>> -> memref<640x128xf32, #tpu.memory_space<vmem_shared>>
      tpu.wait_dma2 semaphore(%run_scoped3A : memref<!tpu.dma_semaphore, #tpu.memory_space<semaphore_mem>>) src(%dma_wait3A_26 : memref<640x128xf32, #tpu.memory_space<vmem_shared>>) dst(%dma_wait3A_24 : memref<640x128xf32, #tpu.memory_space<hbm>>)
      tpu.yield
    }) : () -> ()
    return
  }
}

#map = affine_map<(d0, d1) -> (0, 0)>
#map1 = affine_map<(d0, d1) -> (0)>
#map2 = affine_map<(d0, d1) -> (0, 0, 0)>
module attributes {stable_mosaic.version = 14 : i64} {
  func.func @seg(%arg0: i32, %arg1: i32, %arg2: memref<10000x128xf32, #tpu.memory_space<hbm>>, %arg3: memref<323584xi32, #tpu.memory_space<hbm>>, %arg4: memref<323584xi32, #tpu.memory_space<hbm>>, %arg5: memref<640x128xf32, #tpu.memory_space<hbm>>, %arg6: memref<2x10240x128xf32, #tpu.memory_space<hbm>>, %arg7: memref<32x10240xf32, #tpu.memory_space<hbm>>, %arg8: memref<128xi32, #tpu.memory_space<vmem>>, %arg9: memref<128xi32, #tpu.memory_space<vmem>>, %arg10: memref<128x128xf32, #tpu.memory_space<vmem>>, %arg11: memref<10240x128xf32, #tpu.memory_space<vmem_shared>>, %arg12: memref<!tpu.dma_semaphore, #tpu.memory_space<semaphore_mem>>, %arg13: memref<10240xf32, #tpu.memory_space<vmem>>) attributes {dimension_semantics = [#tpu.dimension_semantics<core_parallel>, #tpu.dimension_semantics<subcore_parallel>], iteration_bounds = array<i64: 2, 16>, scalar_prefetch = 0 : i64, scratch_operands = 6 : i64, tpu.core_type = #tpu.core_type<sc_vector_subcore>, window_params = [{transform_indices = #map}, {transform_indices = #map1}, {transform_indices = #map1}, {transform_indices = #map}, {transform_indices = #map2}, {transform_indices = #map}]} {
    %mul3A = arith.constant 2 : i32
    %mul3A_0 = arith.muli %arg1, %mul3A : i32
    %add3A = arith.addi %mul3A_0, %arg0 : i32
    %mul3A_1 = arith.constant 640 : i32
    %mul3A_2 = arith.muli %arg1, %mul3A_1 : i32
    "tpu.region"() ({
      %run_scoped3A = tpu.sem_alloc : memref<!tpu.dma_semaphore, #tpu.memory_space<semaphore_mem>>
      %dma_start3A = arith.constant 0 : i32
      %dma_start3A_19 = tpu.memref_slice %arg11[%mul3A_2, %dma_start3A] : memref<10240x128xf32, #tpu.memory_space<vmem_shared>> -> memref<640x128xf32, #tpu.memory_space<vmem_shared>>
      tpu.enqueue_dma source(%arg5 : memref<640x128xf32, #tpu.memory_space<hbm>>) target(%dma_start3A_19 : memref<640x128xf32, #tpu.memory_space<vmem_shared>>) target_semaphore(%run_scoped3A : memref<!tpu.dma_semaphore, #tpu.memory_space<semaphore_mem>>)
      %dma_wait3A = arith.constant 0 : i32
      %dma_wait3A_20 = tpu.memref_slice %arg11[%mul3A_2, %dma_wait3A] : memref<10240x128xf32, #tpu.memory_space<vmem_shared>> -> memref<640x128xf32, #tpu.memory_space<vmem_shared>>
      tpu.wait_dma2 semaphore(%run_scoped3A : memref<!tpu.dma_semaphore, #tpu.memory_space<semaphore_mem>>) src(%arg5 : memref<640x128xf32, #tpu.memory_space<hbm>>) dst(%dma_wait3A_20 : memref<640x128xf32, #tpu.memory_space<vmem_shared>>)
      tpu.yield
    }) : () -> ()
    %scan3A = arith.constant 0 : i32
    %scan3A_3 = arith.constant 0 : i32
    %scan3A_4 = arith.constant 640 : i32
    %scan3A_5 = arith.addi %scan3A_3, %scan3A_4 : i32
    %scan3A_6 = arith.constant 1 : i32
    scf.for %scan3A_19 = %scan3A_3 to %scan3A_5 step %scan3A_6  : i32 {
      %broadcast_in_dim3A = arith.constant 0.000000e+00 : f32
      %broadcast_in_dim3A_20 = vector.broadcast %broadcast_in_dim3A : f32 to vector<16xf32>
      %mul3A_21 = arith.constant 16 : i32
      %mul3A_22 = arith.muli %scan3A_19, %mul3A_21 : i32
      %swap3A = arith.index_cast %mul3A_22 : i32 to index
      %swap3A_23 = tpu.vector_load %arg13[%swap3A] {strides = array<i32>} : memref<10240xf32, #tpu.memory_space<vmem>>, vector<16xf32>,
      tpu.vector_store %arg13[%swap3A], %broadcast_in_dim3A_20 {strides = array<i32>} : memref<10240xf32, #tpu.memory_space<vmem>>, vector<16xf32>,
    }
    %scan3A_7 = arith.constant 640 : i32
    %barrier3A = arith.constant 0 : index
    tpu.barrier barrier_id(%barrier3A)
    %scan3A_8 = arith.constant 0 : i32
    %scan3A_9 = arith.constant 0 : i32
    %scan3A_10 = arith.constant 79 : i32
    %scan3A_11 = arith.addi %scan3A_9, %scan3A_10 : i32
    %scan3A_12 = arith.constant 1 : i32
    scf.for %scan3A_19 = %scan3A_9 to %scan3A_11 step %scan3A_12  : i32 {
      %mul3A_20 = arith.constant 10112 : i32
      %mul3A_21 = arith.muli %add3A, %mul3A_20 : i32
      %mul3A_22 = arith.constant 128 : i32
      %mul3A_23 = arith.muli %scan3A_19, %mul3A_22 : i32
      %add3A_24 = arith.addi %mul3A_21, %mul3A_23 : i32
      "tpu.region"() ({
        %run_scoped3A = tpu.sem_alloc : memref<!tpu.dma_semaphore, #tpu.memory_space<semaphore_mem>>
        %dma_start3A_45 = tpu.memref_slice %arg3[%add3A_24] : memref<323584xi32, #tpu.memory_space<hbm>> -> memref<128xi32, #tpu.memory_space<hbm>>
        %dma_start3A_46 = tpu.memref_slice %arg3[%add3A_24] : memref<323584xi32, #tpu.memory_space<hbm>> -> memref<128xi32, #tpu.memory_space<hbm>>
        tpu.enqueue_dma source(%dma_start3A_46 : memref<128xi32, #tpu.memory_space<hbm>>) target(%arg8 : memref<128xi32, #tpu.memory_space<vmem>>) target_semaphore(%run_scoped3A : memref<!tpu.dma_semaphore, #tpu.memory_space<semaphore_mem>>)
        %dma_wait3A_47 = tpu.memref_slice %arg3[%add3A_24] : memref<323584xi32, #tpu.memory_space<hbm>> -> memref<128xi32, #tpu.memory_space<hbm>>
        %dma_wait3A_48 = tpu.memref_slice %arg3[%add3A_24] : memref<323584xi32, #tpu.memory_space<hbm>> -> memref<128xi32, #tpu.memory_space<hbm>>
        tpu.wait_dma2 semaphore(%run_scoped3A : memref<!tpu.dma_semaphore, #tpu.memory_space<semaphore_mem>>) src(%dma_wait3A_48 : memref<128xi32, #tpu.memory_space<hbm>>) dst(%arg8 : memref<128xi32, #tpu.memory_space<vmem>>)
        tpu.yield
      }) : () -> ()
      "tpu.region"() ({
        %run_scoped3A = tpu.sem_alloc : memref<!tpu.dma_semaphore, #tpu.memory_space<semaphore_mem>>
        %dma_start3A_45 = tpu.memref_slice %arg4[%add3A_24] : memref<323584xi32, #tpu.memory_space<hbm>> -> memref<128xi32, #tpu.memory_space<hbm>>
        %dma_start3A_46 = tpu.memref_slice %arg4[%add3A_24] : memref<323584xi32, #tpu.memory_space<hbm>> -> memref<128xi32, #tpu.memory_space<hbm>>
        tpu.enqueue_dma source(%dma_start3A_46 : memref<128xi32, #tpu.memory_space<hbm>>) target(%arg9 : memref<128xi32, #tpu.memory_space<vmem>>) target_semaphore(%run_scoped3A : memref<!tpu.dma_semaphore, #tpu.memory_space<semaphore_mem>>)
        %dma_wait3A_47 = tpu.memref_slice %arg4[%add3A_24] : memref<323584xi32, #tpu.memory_space<hbm>> -> memref<128xi32, #tpu.memory_space<hbm>>
        %dma_wait3A_48 = tpu.memref_slice %arg4[%add3A_24] : memref<323584xi32, #tpu.memory_space<hbm>> -> memref<128xi32, #tpu.memory_space<hbm>>
        tpu.wait_dma2 semaphore(%run_scoped3A : memref<!tpu.dma_semaphore, #tpu.memory_space<semaphore_mem>>) src(%dma_wait3A_48 : memref<128xi32, #tpu.memory_space<hbm>>) dst(%arg9 : memref<128xi32, #tpu.memory_space<vmem>>)
        tpu.yield
      }) : () -> ()
      %dma_start3A = arith.constant 0 : i32
      %dma_start3A_25 = arith.constant 0 : i32
      %dma_start3A_26 = tpu.memref_slice %arg2[%dma_start3A, %dma_start3A_25] : memref<10000x128xf32, #tpu.memory_space<hbm>> -> memref<10000x128xf32, #tpu.memory_space<hbm>>
      tpu.enqueue_indirect_dma source(%dma_start3A_26 : memref<10000x128xf32, #tpu.memory_space<hbm>>) target(%arg10 : memref<128x128xf32, #tpu.memory_space<vmem>>) offsets(%arg8 : memref<128xi32, #tpu.memory_space<vmem>>) semaphore(%arg12 : memref<!tpu.dma_semaphore, #tpu.memory_space<semaphore_mem>>)
      %dma_wait3A = arith.constant 0 : i32
      %dma_wait3A_27 = arith.constant 0 : i32
      %dma_wait3A_28 = tpu.memref_slice %arg2[%dma_wait3A, %dma_wait3A_27] : memref<10000x128xf32, #tpu.memory_space<hbm>> -> memref<10000x128xf32, #tpu.memory_space<hbm>>
      tpu.wait_indirect_dma semaphore(%arg12 : memref<!tpu.dma_semaphore, #tpu.memory_space<semaphore_mem>>) src(%dma_wait3A_28 : memref<10000x128xf32, #tpu.memory_space<hbm>>) dst(%arg10 : memref<128x128xf32, #tpu.memory_space<vmem>>)
      "tpu.region"() ({
        %run_scoped3A = tpu.sem_alloc : memref<!tpu.dma_semaphore, #tpu.memory_space<semaphore_mem>>
        %dma_start3A_45 = arith.constant 0 : i32
        %dma_start3A_46 = arith.constant 0 : i32
        %dma_start3A_47 = tpu.memref_slice %arg11[%dma_start3A_45, %dma_start3A_46] : memref<10240x128xf32, #tpu.memory_space<vmem_shared>> -> memref<10240x128xf32, #tpu.memory_space<vmem_shared>>
        tpu.enqueue_indirect_dma source(%arg10 : memref<128x128xf32, #tpu.memory_space<vmem>>) target(%dma_start3A_47 : memref<10240x128xf32, #tpu.memory_space<vmem_shared>>) offsets(%arg9 : memref<128xi32, #tpu.memory_space<vmem>>) semaphore(%run_scoped3A : memref<!tpu.dma_semaphore, #tpu.memory_space<semaphore_mem>>) {add = true}
        %dma_wait3A_48 = arith.constant 0 : i32
        %dma_wait3A_49 = arith.constant 0 : i32
        %dma_wait3A_50 = tpu.memref_slice %arg11[%dma_wait3A_48, %dma_wait3A_49] : memref<10240x128xf32, #tpu.memory_space<vmem_shared>> -> memref<10240x128xf32, #tpu.memory_space<vmem_shared>>
        tpu.wait_indirect_dma semaphore(%run_scoped3A : memref<!tpu.dma_semaphore, #tpu.memory_space<semaphore_mem>>) src(%arg10 : memref<128x128xf32, #tpu.memory_space<vmem>>) dst(%dma_wait3A_50 : memref<10240x128xf32, #tpu.memory_space<vmem_shared>>)
        tpu.yield
      }) : () -> ()
      %broadcast_in_dim3A = arith.constant 1.000000e+00 : f32
      %broadcast_in_dim3A_29 = vector.broadcast %broadcast_in_dim3A : f32 to vector<16xf32>
      %get3A = arith.constant 0 : index
      %get3A_30 = tpu.vector_load %arg9[%get3A] {strides = array<i32>} : memref<128xi32, #tpu.memory_space<vmem>>, vector<16xi32>,
      tpu.vector_store_idx %arg13[%get3A_30], %broadcast_in_dim3A_29 {add = true} : memref<10240xf32, #tpu.memory_space<vmem>>[vector<16xi32>], vector<16xf32>,
      %get3A_31 = arith.constant 16 : index
      %get3A_32 = tpu.vector_load %arg9[%get3A_31] {strides = array<i32>} : memref<128xi32, #tpu.memory_space<vmem>>, vector<16xi32>,
      tpu.vector_store_idx %arg13[%get3A_32], %broadcast_in_dim3A_29 {add = true} : memref<10240xf32, #tpu.memory_space<vmem>>[vector<16xi32>], vector<16xf32>,
      %get3A_33 = arith.constant 32 : index
      %get3A_34 = tpu.vector_load %arg9[%get3A_33] {strides = array<i32>} : memref<128xi32, #tpu.memory_space<vmem>>, vector<16xi32>,
      tpu.vector_store_idx %arg13[%get3A_34], %broadcast_in_dim3A_29 {add = true} : memref<10240xf32, #tpu.memory_space<vmem>>[vector<16xi32>], vector<16xf32>,
      %get3A_35 = arith.constant 48 : index
      %get3A_36 = tpu.vector_load %arg9[%get3A_35] {strides = array<i32>} : memref<128xi32, #tpu.memory_space<vmem>>, vector<16xi32>,
      tpu.vector_store_idx %arg13[%get3A_36], %broadcast_in_dim3A_29 {add = true} : memref<10240xf32, #tpu.memory_space<vmem>>[vector<16xi32>], vector<16xf32>,
      %get3A_37 = arith.constant 64 : index
      %get3A_38 = tpu.vector_load %arg9[%get3A_37] {strides = array<i32>} : memref<128xi32, #tpu.memory_space<vmem>>, vector<16xi32>,
      tpu.vector_store_idx %arg13[%get3A_38], %broadcast_in_dim3A_29 {add = true} : memref<10240xf32, #tpu.memory_space<vmem>>[vector<16xi32>], vector<16xf32>,
      %get3A_39 = arith.constant 80 : index
      %get3A_40 = tpu.vector_load %arg9[%get3A_39] {strides = array<i32>} : memref<128xi32, #tpu.memory_space<vmem>>, vector<16xi32>,
      tpu.vector_store_idx %arg13[%get3A_40], %broadcast_in_dim3A_29 {add = true} : memref<10240xf32, #tpu.memory_space<vmem>>[vector<16xi32>], vector<16xf32>,
      %get3A_41 = arith.constant 96 : index
      %get3A_42 = tpu.vector_load %arg9[%get3A_41] {strides = array<i32>} : memref<128xi32, #tpu.memory_space<vmem>>, vector<16xi32>,
      tpu.vector_store_idx %arg13[%get3A_42], %broadcast_in_dim3A_29 {add = true} : memref<10240xf32, #tpu.memory_space<vmem>>[vector<16xi32>], vector<16xf32>,
      %get3A_43 = arith.constant 112 : index
      %get3A_44 = tpu.vector_load %arg9[%get3A_43] {strides = array<i32>} : memref<128xi32, #tpu.memory_space<vmem>>, vector<16xi32>,
      tpu.vector_store_idx %arg13[%get3A_44], %broadcast_in_dim3A_29 {add = true} : memref<10240xf32, #tpu.memory_space<vmem>>[vector<16xi32>], vector<16xf32>,
    }
    %scan3A_13 = arith.constant 79 : i32
    %barrier3A_14 = arith.constant 0 : index
    tpu.barrier barrier_id(%barrier3A_14)
    %mul3A_15 = arith.constant 640 : i32
    %mul3A_16 = arith.muli %arg1, %mul3A_15 : i32
    %mul3A_17 = arith.constant 640 : i32
    %mul3A_18 = arith.muli %arg1, %mul3A_17 : i32
    "tpu.region"() ({
      %run_scoped3A = tpu.sem_alloc : memref<!tpu.dma_semaphore, #tpu.memory_space<semaphore_mem>>
      %dma_start3A = arith.constant 0 : i32
      %dma_start3A_19 = arith.constant 0 : i32
      %dma_start3A_20 = tpu.memref_slice %arg6[%arg0, %dma_start3A, %dma_start3A_19] : memref<2x10240x128xf32, #tpu.memory_space<hbm>> -> memref<1x10240x128xf32, #tpu.memory_space<hbm>>
      %dma_start3A_21 = tpu.memref_squeeze %dma_start3A_20 : memref<1x10240x128xf32, #tpu.memory_space<hbm>> -> memref<10240x128xf32, #tpu.memory_space<hbm>>
      %dma_start3A_22 = arith.constant 0 : i32
      %dma_start3A_23 = tpu.memref_slice %dma_start3A_21[%mul3A_18, %dma_start3A_22] : memref<10240x128xf32, #tpu.memory_space<hbm>> -> memref<640x128xf32, #tpu.memory_space<hbm>>
      %dma_start3A_24 = arith.constant 0 : i32
      %dma_start3A_25 = tpu.memref_slice %arg11[%mul3A_16, %dma_start3A_24] : memref<10240x128xf32, #tpu.memory_space<vmem_shared>> -> memref<640x128xf32, #tpu.memory_space<vmem_shared>>
      tpu.enqueue_dma source(%dma_start3A_25 : memref<640x128xf32, #tpu.memory_space<vmem_shared>>) target(%dma_start3A_23 : memref<640x128xf32, #tpu.memory_space<hbm>>) target_semaphore(%run_scoped3A : memref<!tpu.dma_semaphore, #tpu.memory_space<semaphore_mem>>)
      %dma_wait3A = arith.constant 0 : i32
      %dma_wait3A_26 = arith.constant 0 : i32
      %dma_wait3A_27 = tpu.memref_slice %arg6[%arg0, %dma_wait3A, %dma_wait3A_26] : memref<2x10240x128xf32, #tpu.memory_space<hbm>> -> memref<1x10240x128xf32, #tpu.memory_space<hbm>>
      %dma_wait3A_28 = tpu.memref_squeeze %dma_wait3A_27 : memref<1x10240x128xf32, #tpu.memory_space<hbm>> -> memref<10240x128xf32, #tpu.memory_space<hbm>>
      %dma_wait3A_29 = arith.constant 0 : i32
      %dma_wait3A_30 = tpu.memref_slice %dma_wait3A_28[%mul3A_18, %dma_wait3A_29] : memref<10240x128xf32, #tpu.memory_space<hbm>> -> memref<640x128xf32, #tpu.memory_space<hbm>>
      %dma_wait3A_31 = arith.constant 0 : i32
      %dma_wait3A_32 = tpu.memref_slice %arg11[%mul3A_16, %dma_wait3A_31] : memref<10240x128xf32, #tpu.memory_space<vmem_shared>> -> memref<640x128xf32, #tpu.memory_space<vmem_shared>>
      tpu.wait_dma2 semaphore(%run_scoped3A : memref<!tpu.dma_semaphore, #tpu.memory_space<semaphore_mem>>) src(%dma_wait3A_32 : memref<640x128xf32, #tpu.memory_space<vmem_shared>>) dst(%dma_wait3A_30 : memref<640x128xf32, #tpu.memory_space<hbm>>)
      tpu.yield
    }) : () -> ()
    "tpu.region"() ({
      %run_scoped3A = tpu.sem_alloc : memref<!tpu.dma_semaphore, #tpu.memory_space<semaphore_mem>>
      %dma_start3A = arith.constant 0 : i32
      %dma_start3A_19 = tpu.memref_slice %arg7[%add3A, %dma_start3A] : memref<32x10240xf32, #tpu.memory_space<hbm>> -> memref<1x10240xf32, #tpu.memory_space<hbm>>
      %dma_start3A_20 = tpu.memref_squeeze %dma_start3A_19 : memref<1x10240xf32, #tpu.memory_space<hbm>> -> memref<10240xf32, #tpu.memory_space<hbm>>
      %dma_start3A_21 = arith.constant 0 : i32
      %dma_start3A_22 = tpu.memref_slice %arg7[%add3A, %dma_start3A_21] : memref<32x10240xf32, #tpu.memory_space<hbm>> -> memref<1x10240xf32, #tpu.memory_space<hbm>>
      %dma_start3A_23 = tpu.memref_squeeze %dma_start3A_22 : memref<1x10240xf32, #tpu.memory_space<hbm>> -> memref<10240xf32, #tpu.memory_space<hbm>>
      tpu.enqueue_dma source(%arg13 : memref<10240xf32, #tpu.memory_space<vmem>>) target(%dma_start3A_23 : memref<10240xf32, #tpu.memory_space<hbm>>) target_semaphore(%run_scoped3A : memref<!tpu.dma_semaphore, #tpu.memory_space<semaphore_mem>>)
      %dma_wait3A = arith.constant 0 : i32
      %dma_wait3A_24 = tpu.memref_slice %arg7[%add3A, %dma_wait3A] : memref<32x10240xf32, #tpu.memory_space<hbm>> -> memref<1x10240xf32, #tpu.memory_space<hbm>>
      %dma_wait3A_25 = tpu.memref_squeeze %dma_wait3A_24 : memref<1x10240xf32, #tpu.memory_space<hbm>> -> memref<10240xf32, #tpu.memory_space<hbm>>
      %dma_wait3A_26 = arith.constant 0 : i32
      %dma_wait3A_27 = tpu.memref_slice %arg7[%add3A, %dma_wait3A_26] : memref<32x10240xf32, #tpu.memory_space<hbm>> -> memref<1x10240xf32, #tpu.memory_space<hbm>>
      %dma_wait3A_28 = tpu.memref_squeeze %dma_wait3A_27 : memref<1x10240xf32, #tpu.memory_space<hbm>> -> memref<10240xf32, #tpu.memory_space<hbm>>
      tpu.wait_dma2 semaphore(%run_scoped3A : memref<!tpu.dma_semaphore, #tpu.memory_space<semaphore_mem>>) src(%arg13 : memref<10240xf32, #tpu.memory_space<vmem>>) dst(%dma_wait3A_28 : memref<10240xf32, #tpu.memory_space<hbm>>)
      tpu.yield
    }) : () -> ()
    return
  }
}

#map = affine_map<(d0, d1) -> (0, 0)>
#map1 = affine_map<(d0, d1) -> (0)>
#map2 = affine_map<(d0, d1) -> (0, 0, 0)>
module attributes {stable_mosaic.version = 14 : i64} {
  func.func @seg(%arg0: i32, %arg1: i32, %arg2: memref<10000x128xf32, #tpu.memory_space<hbm>>, %arg3: memref<323584xi32, #tpu.memory_space<hbm>>, %arg4: memref<323584xi32, #tpu.memory_space<hbm>>, %arg5: memref<640x128xf32, #tpu.memory_space<hbm>>, %arg6: memref<2x10240x128xf32, #tpu.memory_space<hbm>>, %arg7: memref<128xi32, #tpu.memory_space<vmem>>, %arg8: memref<128xi32, #tpu.memory_space<vmem>>, %arg9: memref<128x128xf32, #tpu.memory_space<vmem>>, %arg10: memref<10240x128xf32, #tpu.memory_space<vmem_shared>>, %arg11: memref<!tpu.dma_semaphore, #tpu.memory_space<semaphore_mem>>) attributes {dimension_semantics = [#tpu.dimension_semantics<core_parallel>, #tpu.dimension_semantics<subcore_parallel>], iteration_bounds = array<i64: 2, 16>, scalar_prefetch = 0 : i64, scratch_operands = 5 : i64, tpu.core_type = #tpu.core_type<sc_vector_subcore>, window_params = [{transform_indices = #map}, {transform_indices = #map1}, {transform_indices = #map1}, {transform_indices = #map}, {transform_indices = #map2}]} {
    %mul3A = arith.constant 2 : i32
    %mul3A_0 = arith.muli %arg1, %mul3A : i32
    %add3A = arith.addi %mul3A_0, %arg0 : i32
    %mul3A_1 = arith.constant 640 : i32
    %mul3A_2 = arith.muli %arg1, %mul3A_1 : i32
    "tpu.region"() ({
      %run_scoped3A = tpu.sem_alloc : memref<!tpu.dma_semaphore, #tpu.memory_space<semaphore_mem>>
      %dma_start3A = arith.constant 0 : i32
      %dma_start3A_13 = tpu.memref_slice %arg10[%mul3A_2, %dma_start3A] : memref<10240x128xf32, #tpu.memory_space<vmem_shared>> -> memref<640x128xf32, #tpu.memory_space<vmem_shared>>
      tpu.enqueue_dma source(%arg5 : memref<640x128xf32, #tpu.memory_space<hbm>>) target(%dma_start3A_13 : memref<640x128xf32, #tpu.memory_space<vmem_shared>>) target_semaphore(%run_scoped3A : memref<!tpu.dma_semaphore, #tpu.memory_space<semaphore_mem>>)
      %dma_wait3A = arith.constant 0 : i32
      %dma_wait3A_14 = tpu.memref_slice %arg10[%mul3A_2, %dma_wait3A] : memref<10240x128xf32, #tpu.memory_space<vmem_shared>> -> memref<640x128xf32, #tpu.memory_space<vmem_shared>>
      tpu.wait_dma2 semaphore(%run_scoped3A : memref<!tpu.dma_semaphore, #tpu.memory_space<semaphore_mem>>) src(%arg5 : memref<640x128xf32, #tpu.memory_space<hbm>>) dst(%dma_wait3A_14 : memref<640x128xf32, #tpu.memory_space<vmem_shared>>)
      tpu.yield
    }) : () -> ()
    %barrier3A = arith.constant 0 : index
    tpu.barrier barrier_id(%barrier3A)
    %scan3A = arith.constant 0 : i32
    %scan3A_3 = arith.constant 0 : i32
    %scan3A_4 = arith.constant 79 : i32
    %scan3A_5 = arith.addi %scan3A_3, %scan3A_4 : i32
    %scan3A_6 = arith.constant 1 : i32
    scf.for %scan3A_13 = %scan3A_3 to %scan3A_5 step %scan3A_6  : i32 {
      %mul3A_14 = arith.constant 10112 : i32
      %mul3A_15 = arith.muli %add3A, %mul3A_14 : i32
      %mul3A_16 = arith.constant 128 : i32
      %mul3A_17 = arith.muli %scan3A_13, %mul3A_16 : i32
      %add3A_18 = arith.addi %mul3A_15, %mul3A_17 : i32
      "tpu.region"() ({
        %run_scoped3A = tpu.sem_alloc : memref<!tpu.dma_semaphore, #tpu.memory_space<semaphore_mem>>
        %dma_start3A_23 = tpu.memref_slice %arg3[%add3A_18] : memref<323584xi32, #tpu.memory_space<hbm>> -> memref<128xi32, #tpu.memory_space<hbm>>
        %dma_start3A_24 = tpu.memref_slice %arg3[%add3A_18] : memref<323584xi32, #tpu.memory_space<hbm>> -> memref<128xi32, #tpu.memory_space<hbm>>
        tpu.enqueue_dma source(%dma_start3A_24 : memref<128xi32, #tpu.memory_space<hbm>>) target(%arg7 : memref<128xi32, #tpu.memory_space<vmem>>) target_semaphore(%run_scoped3A : memref<!tpu.dma_semaphore, #tpu.memory_space<semaphore_mem>>)
        %dma_wait3A_25 = tpu.memref_slice %arg3[%add3A_18] : memref<323584xi32, #tpu.memory_space<hbm>> -> memref<128xi32, #tpu.memory_space<hbm>>
        %dma_wait3A_26 = tpu.memref_slice %arg3[%add3A_18] : memref<323584xi32, #tpu.memory_space<hbm>> -> memref<128xi32, #tpu.memory_space<hbm>>
        tpu.wait_dma2 semaphore(%run_scoped3A : memref<!tpu.dma_semaphore, #tpu.memory_space<semaphore_mem>>) src(%dma_wait3A_26 : memref<128xi32, #tpu.memory_space<hbm>>) dst(%arg7 : memref<128xi32, #tpu.memory_space<vmem>>)
        tpu.yield
      }) : () -> ()
      "tpu.region"() ({
        %run_scoped3A = tpu.sem_alloc : memref<!tpu.dma_semaphore, #tpu.memory_space<semaphore_mem>>
        %dma_start3A_23 = tpu.memref_slice %arg4[%add3A_18] : memref<323584xi32, #tpu.memory_space<hbm>> -> memref<128xi32, #tpu.memory_space<hbm>>
        %dma_start3A_24 = tpu.memref_slice %arg4[%add3A_18] : memref<323584xi32, #tpu.memory_space<hbm>> -> memref<128xi32, #tpu.memory_space<hbm>>
        tpu.enqueue_dma source(%dma_start3A_24 : memref<128xi32, #tpu.memory_space<hbm>>) target(%arg8 : memref<128xi32, #tpu.memory_space<vmem>>) target_semaphore(%run_scoped3A : memref<!tpu.dma_semaphore, #tpu.memory_space<semaphore_mem>>)
        %dma_wait3A_25 = tpu.memref_slice %arg4[%add3A_18] : memref<323584xi32, #tpu.memory_space<hbm>> -> memref<128xi32, #tpu.memory_space<hbm>>
        %dma_wait3A_26 = tpu.memref_slice %arg4[%add3A_18] : memref<323584xi32, #tpu.memory_space<hbm>> -> memref<128xi32, #tpu.memory_space<hbm>>
        tpu.wait_dma2 semaphore(%run_scoped3A : memref<!tpu.dma_semaphore, #tpu.memory_space<semaphore_mem>>) src(%dma_wait3A_26 : memref<128xi32, #tpu.memory_space<hbm>>) dst(%arg8 : memref<128xi32, #tpu.memory_space<vmem>>)
        tpu.yield
      }) : () -> ()
      %dma_start3A = arith.constant 0 : i32
      %dma_start3A_19 = arith.constant 0 : i32
      %dma_start3A_20 = tpu.memref_slice %arg2[%dma_start3A, %dma_start3A_19] : memref<10000x128xf32, #tpu.memory_space<hbm>> -> memref<10000x128xf32, #tpu.memory_space<hbm>>
      tpu.enqueue_indirect_dma source(%dma_start3A_20 : memref<10000x128xf32, #tpu.memory_space<hbm>>) target(%arg9 : memref<128x128xf32, #tpu.memory_space<vmem>>) offsets(%arg7 : memref<128xi32, #tpu.memory_space<vmem>>) semaphore(%arg11 : memref<!tpu.dma_semaphore, #tpu.memory_space<semaphore_mem>>)
      %dma_wait3A = arith.constant 0 : i32
      %dma_wait3A_21 = arith.constant 0 : i32
      %dma_wait3A_22 = tpu.memref_slice %arg2[%dma_wait3A, %dma_wait3A_21] : memref<10000x128xf32, #tpu.memory_space<hbm>> -> memref<10000x128xf32, #tpu.memory_space<hbm>>
      tpu.wait_indirect_dma semaphore(%arg11 : memref<!tpu.dma_semaphore, #tpu.memory_space<semaphore_mem>>) src(%dma_wait3A_22 : memref<10000x128xf32, #tpu.memory_space<hbm>>) dst(%arg9 : memref<128x128xf32, #tpu.memory_space<vmem>>)
      "tpu.region"() ({
        %run_scoped3A = tpu.sem_alloc : memref<!tpu.dma_semaphore, #tpu.memory_space<semaphore_mem>>
        %dma_start3A_23 = arith.constant 0 : i32
        %dma_start3A_24 = arith.constant 0 : i32
        %dma_start3A_25 = tpu.memref_slice %arg10[%dma_start3A_23, %dma_start3A_24] : memref<10240x128xf32, #tpu.memory_space<vmem_shared>> -> memref<10240x128xf32, #tpu.memory_space<vmem_shared>>
        tpu.enqueue_indirect_dma source(%arg9 : memref<128x128xf32, #tpu.memory_space<vmem>>) target(%dma_start3A_25 : memref<10240x128xf32, #tpu.memory_space<vmem_shared>>) offsets(%arg8 : memref<128xi32, #tpu.memory_space<vmem>>) semaphore(%run_scoped3A : memref<!tpu.dma_semaphore, #tpu.memory_space<semaphore_mem>>) {add = true}
        %dma_wait3A_26 = arith.constant 0 : i32
        %dma_wait3A_27 = arith.constant 0 : i32
        %dma_wait3A_28 = tpu.memref_slice %arg10[%dma_wait3A_26, %dma_wait3A_27] : memref<10240x128xf32, #tpu.memory_space<vmem_shared>> -> memref<10240x128xf32, #tpu.memory_space<vmem_shared>>
        tpu.wait_indirect_dma semaphore(%run_scoped3A : memref<!tpu.dma_semaphore, #tpu.memory_space<semaphore_mem>>) src(%arg9 : memref<128x128xf32, #tpu.memory_space<vmem>>) dst(%dma_wait3A_28 : memref<10240x128xf32, #tpu.memory_space<vmem_shared>>)
        tpu.yield
      }) : () -> ()
    }
    %scan3A_7 = arith.constant 79 : i32
    %barrier3A_8 = arith.constant 0 : index
    tpu.barrier barrier_id(%barrier3A_8)
    %mul3A_9 = arith.constant 640 : i32
    %mul3A_10 = arith.muli %arg1, %mul3A_9 : i32
    %mul3A_11 = arith.constant 640 : i32
    %mul3A_12 = arith.muli %arg1, %mul3A_11 : i32
    "tpu.region"() ({
      %run_scoped3A = tpu.sem_alloc : memref<!tpu.dma_semaphore, #tpu.memory_space<semaphore_mem>>
      %dma_start3A = arith.constant 0 : i32
      %dma_start3A_13 = arith.constant 0 : i32
      %dma_start3A_14 = tpu.memref_slice %arg6[%arg0, %dma_start3A, %dma_start3A_13] : memref<2x10240x128xf32, #tpu.memory_space<hbm>> -> memref<1x10240x128xf32, #tpu.memory_space<hbm>>
      %dma_start3A_15 = tpu.memref_squeeze %dma_start3A_14 : memref<1x10240x128xf32, #tpu.memory_space<hbm>> -> memref<10240x128xf32, #tpu.memory_space<hbm>>
      %dma_start3A_16 = arith.constant 0 : i32
      %dma_start3A_17 = tpu.memref_slice %dma_start3A_15[%mul3A_12, %dma_start3A_16] : memref<10240x128xf32, #tpu.memory_space<hbm>> -> memref<640x128xf32, #tpu.memory_space<hbm>>
      %dma_start3A_18 = arith.constant 0 : i32
      %dma_start3A_19 = tpu.memref_slice %arg10[%mul3A_10, %dma_start3A_18] : memref<10240x128xf32, #tpu.memory_space<vmem_shared>> -> memref<640x128xf32, #tpu.memory_space<vmem_shared>>
      tpu.enqueue_dma source(%dma_start3A_19 : memref<640x128xf32, #tpu.memory_space<vmem_shared>>) target(%dma_start3A_17 : memref<640x128xf32, #tpu.memory_space<hbm>>) target_semaphore(%run_scoped3A : memref<!tpu.dma_semaphore, #tpu.memory_space<semaphore_mem>>)
      %dma_wait3A = arith.constant 0 : i32
      %dma_wait3A_20 = arith.constant 0 : i32
      %dma_wait3A_21 = tpu.memref_slice %arg6[%arg0, %dma_wait3A, %dma_wait3A_20] : memref<2x10240x128xf32, #tpu.memory_space<hbm>> -> memref<1x10240x128xf32, #tpu.memory_space<hbm>>
      %dma_wait3A_22 = tpu.memref_squeeze %dma_wait3A_21 : memref<1x10240x128xf32, #tpu.memory_space<hbm>> -> memref<10240x128xf32, #tpu.memory_space<hbm>>
      %dma_wait3A_23 = arith.constant 0 : i32
      %dma_wait3A_24 = tpu.memref_slice %dma_wait3A_22[%mul3A_12, %dma_wait3A_23] : memref<10240x128xf32, #tpu.memory_space<hbm>> -> memref<640x128xf32, #tpu.memory_space<hbm>>
      %dma_wait3A_25 = arith.constant 0 : i32
      %dma_wait3A_26 = tpu.memref_slice %arg10[%mul3A_10, %dma_wait3A_25] : memref<10240x128xf32, #tpu.memory_space<vmem_shared>> -> memref<640x128xf32, #tpu.memory_space<vmem_shared>>
      tpu.wait_dma2 semaphore(%run_scoped3A : memref<!tpu.dma_semaphore, #tpu.memory_space<semaphore_mem>>) src(%dma_wait3A_26 : memref<640x128xf32, #tpu.memory_space<vmem_shared>>) dst(%dma_wait3A_24 : memref<640x128xf32, #tpu.memory_space<hbm>>)
      tpu.yield
    }) : () -> ()
    return
  }
}

module attributes {stable_mosaic.version = 14 : i64} {
  func.func @tc1_l1(%arg0: i32, %arg1: memref<2x1000x128xf32, #tpu.memory_space<vmem>>, %arg2: memref<1000x1xf32, #tpu.memory_space<vmem>>, %arg3: memref<1000x128xf32, #tpu.memory_space<vmem>>, %arg4: memref<128x512xf32, #tpu.memory_space<vmem>>, %arg5: memref<1x512xf32, #tpu.memory_space<vmem>>, %arg6: memref<128x512xf32, #tpu.memory_space<vmem>>, %arg7: memref<1000x512xf32, #tpu.memory_space<vmem>>, %arg8: memref<1x512xf32, #tpu.memory_space<vmem>>, %arg9: memref<1x512xf32, #tpu.memory_space<vmem>>, %arg10: memref<1000x1xf32, #tpu.memory_space<vmem>>) attributes {dimension_semantics = [#tpu.dimension_semantics<arbitrary>], iteration_bounds = array<i64: 10>, scalar_prefetch = 0 : i64, scratch_operands = 0 : i64, tpu.core_type = #tpu.core_type<tc>, window_params = [{transform_indices = @transform_0, window_bounds = array<i64: 2, 1000, 128>}, {transform_indices = @transform_1, window_bounds = array<i64: 1000, 1>}, {transform_indices = @transform_2, window_bounds = array<i64: 1000, 128>}, {pipeline_mode = #tpu.pipeline_mode<synchronous>, transform_indices = @transform_3, window_bounds = array<i64: 128, 512>}, {pipeline_mode = #tpu.pipeline_mode<synchronous>, transform_indices = @transform_4, window_bounds = array<i64: 1, 512>}, {pipeline_mode = #tpu.pipeline_mode<synchronous>, transform_indices = @transform_5, window_bounds = array<i64: 128, 512>}, {transform_indices = @transform_6, window_bounds = array<i64: 1000, 512>}, {pipeline_mode = #tpu.pipeline_mode<synchronous>, transform_indices = @transform_7, window_bounds = array<i64: 1, 512>}, {pipeline_mode = #tpu.pipeline_mode<synchronous>, transform_indices = @transform_8, window_bounds = array<i64: 1, 512>}, {transform_indices = @transform_9, window_bounds = array<i64: 1000, 1>}]} {
    %get3A = arith.constant 0 : index
    %get3A_0 = arith.constant 0 : index
    %get3A_1 = arith.constant 0 : index
    %get3A_2 = vector.load %arg1[%get3A, %get3A_0, %get3A_1] : memref<2x1000x128xf32, #tpu.memory_space<vmem>>, vector<1x1000x128xf32>
    %get3A_3 = vector.shape_cast %get3A_2 : vector<1x1000x128xf32> to vector<1000x128xf32>
    %get3A_4 = arith.constant 1 : index
    %get3A_5 = arith.constant 0 : index
    %get3A_6 = arith.constant 0 : index
    %get3A_7 = vector.load %arg1[%get3A_4, %get3A_5, %get3A_6] : memref<2x1000x128xf32, #tpu.memory_space<vmem>>, vector<1x1000x128xf32>
    %get3A_8 = vector.shape_cast %get3A_7 : vector<1x1000x128xf32> to vector<1000x128xf32>
    %add3A = arith.addf %get3A_3, %get3A_8 : vector<1000x128xf32>
    %get3A_9 = arith.constant 0 : index
    %get3A_10 = arith.constant 0 : index
    %get3A_11 = vector.load %arg2[%get3A_9, %get3A_10] : memref<1000x1xf32, #tpu.memory_space<vmem>>, vector<1000x1xf32>
    %max3A = arith.constant 1.000000e+00 : f32
    %max3A_12 = vector.broadcast %max3A : f32 to vector<1000x1xf32>
    %max3A_13 = arith.maximumf %get3A_11, %max3A_12 : vector<1000x1xf32>
    %div3A = arith.constant 1.000000e+00 : f32
    %div3A_14 = vector.broadcast %div3A : f32 to vector<1000x1xf32>
    %div3A_15 = arith.divf %div3A_14, %max3A_13 : vector<1000x1xf32>
    %mul3A = vector.broadcast %div3A_15 : vector<1000x1xf32> to vector<1000x128xf32>
    %mul3A_16 = arith.mulf %add3A, %mul3A : vector<1000x128xf32>
    %get3A_17 = arith.constant 0 : index
    %get3A_18 = arith.constant 0 : index
    %get3A_19 = vector.load %arg4[%get3A_17, %get3A_18] : memref<128x512xf32, #tpu.memory_space<vmem>>, vector<128x512xf32>
    %dot_general3A = arith.constant dense<0.000000e+00> : vector<1000x512xf32>
    %dot_general3A_20 = tpu.matmul %mul3A_16, %get3A_19, %dot_general3A {dimension_numbers = #tpu.dot_dimension_numbers<[1], [0], [0], [1], [0, 0, 1, 1], [], []>, precision = #tpu.contract_precision<fp32>, transpose_lhs_hint = false} : vector<1000x128xf32>, vector<128x512xf32>, vector<1000x512xf32> -> vector<1000x512xf32>
    %get3A_21 = arith.constant 0 : index
    %get3A_22 = arith.constant 0 : index
    %get3A_23 = vector.load %arg5[%get3A_21, %get3A_22] : memref<1x512xf32, #tpu.memory_space<vmem>>, vector<1x512xf32>
    %add3A_24 = vector.broadcast %get3A_23 : vector<1x512xf32> to vector<1000x512xf32>
    %add3A_25 = arith.addf %dot_general3A_20, %add3A_24 : vector<1000x512xf32>
    %get3A_26 = arith.constant 0 : index
    %get3A_27 = arith.constant 0 : index
    %get3A_28 = vector.load %arg3[%get3A_26, %get3A_27] : memref<1000x128xf32, #tpu.memory_space<vmem>>, vector<1000x128xf32>
    %get3A_29 = arith.constant 0 : index
    %get3A_30 = arith.constant 0 : index
    %get3A_31 = vector.load %arg6[%get3A_29, %get3A_30] : memref<128x512xf32, #tpu.memory_space<vmem>>, vector<128x512xf32>
    %dot_general3A_32 = arith.constant dense<0.000000e+00> : vector<1000x512xf32>
    %dot_general3A_33 = tpu.matmul %get3A_28, %get3A_31, %dot_general3A_32 {dimension_numbers = #tpu.dot_dimension_numbers<[1], [0], [0], [1], [0, 0, 1, 1], [], []>, precision = #tpu.contract_precision<fp32>, transpose_lhs_hint = false} : vector<1000x128xf32>, vector<128x512xf32>, vector<1000x512xf32> -> vector<1000x512xf32>
    %add3A_34 = arith.addf %add3A_25, %dot_general3A_33 : vector<1000x512xf32>
    %swap3A = arith.constant 0 : index
    %swap3A_35 = arith.constant 0 : index
    %swap3A_36 = vector.load %arg7[%swap3A, %swap3A_35] : memref<1000x512xf32, #tpu.memory_space<vmem>>, vector<1000x512xf32>
    tpu.vector_store %arg7[%swap3A, %swap3A_35], %add3A_34 {strides = array<i32>} : memref<1000x512xf32, #tpu.memory_space<vmem>>, vector<1000x512xf32>,
    %swap3A_37 = arith.constant 0 : index
    %swap3A_38 = arith.constant 0 : index
    %swap3A_39 = vector.load %arg10[%swap3A_37, %swap3A_38] : memref<1000x1xf32, #tpu.memory_space<vmem>>, vector<1000x1xf32>
    tpu.vector_store %arg10[%swap3A_37, %swap3A_38], %div3A_15 {strides = array<i32>} : memref<1000x1xf32, #tpu.memory_space<vmem>>, vector<1000x1xf32>,
    %eq3A = arith.constant 0 : i32
    %eq3A_40 = arith.cmpi eq, %arg0, %eq3A : i32
    %convert_element_type3A = arith.extui %eq3A_40 : i1 to i32
    %cond3A = arith.constant 0 : i32
    %cond3A_41 = arith.cmpi ne, %convert_element_type3A, %cond3A : i32
    scf.if %cond3A_41 {
      %broadcast_in_dim3A_61 = arith.constant 0.000000e+00 : f32
      %broadcast_in_dim3A_62 = vector.broadcast %broadcast_in_dim3A_61 : f32 to vector<1x512xf32>
      %swap3A_63 = arith.constant 0 : index
      %swap3A_64 = arith.constant 0 : index
      %swap3A_65 = vector.load %arg8[%swap3A_63, %swap3A_64] : memref<1x512xf32, #tpu.memory_space<vmem>>, vector<1x512xf32>
      tpu.vector_store %arg8[%swap3A_63, %swap3A_64], %broadcast_in_dim3A_62 {strides = array<i32>} : memref<1x512xf32, #tpu.memory_space<vmem>>, vector<1x512xf32>,
      %broadcast_in_dim3A_66 = arith.constant 0.000000e+00 : f32
      %broadcast_in_dim3A_67 = vector.broadcast %broadcast_in_dim3A_66 : f32 to vector<1x512xf32>
      %swap3A_68 = arith.constant 0 : index
      %swap3A_69 = arith.constant 0 : index
      %swap3A_70 = vector.load %arg9[%swap3A_68, %swap3A_69] : memref<1x512xf32, #tpu.memory_space<vmem>>, vector<1x512xf32>
      tpu.vector_store %arg9[%swap3A_68, %swap3A_69], %broadcast_in_dim3A_67 {strides = array<i32>} : memref<1x512xf32, #tpu.memory_space<vmem>>, vector<1x512xf32>,
    } else {
    }
    %get3A_42 = arith.constant 0 : index
    %get3A_43 = arith.constant 0 : index
    %get3A_44 = vector.load %arg8[%get3A_42, %get3A_43] : memref<1x512xf32, #tpu.memory_space<vmem>>, vector<1x512xf32>
    %reduce_sum3A = arith.constant dense<0.000000e+00> : vector<512xf32>
    %reduce_sum3A_45 = vector.multi_reduction <add>, %add3A_34, %reduce_sum3A [0] : vector<1000x512xf32> to vector<512xf32>
    %broadcast_in_dim3A = vector.shape_cast %reduce_sum3A_45 : vector<512xf32> to vector<1x512xf32>
    %add3A_46 = arith.addf %get3A_44, %broadcast_in_dim3A : vector<1x512xf32>
    %swap3A_47 = arith.constant 0 : index
    %swap3A_48 = arith.constant 0 : index
    %swap3A_49 = vector.load %arg8[%swap3A_47, %swap3A_48] : memref<1x512xf32, #tpu.memory_space<vmem>>, vector<1x512xf32>
    tpu.vector_store %arg8[%swap3A_47, %swap3A_48], %add3A_46 {strides = array<i32>} : memref<1x512xf32, #tpu.memory_space<vmem>>, vector<1x512xf32>,
    %get3A_50 = arith.constant 0 : index
    %get3A_51 = arith.constant 0 : index
    %get3A_52 = vector.load %arg9[%get3A_50, %get3A_51] : memref<1x512xf32, #tpu.memory_space<vmem>>, vector<1x512xf32>
    %mul3A_53 = arith.mulf %add3A_34, %add3A_34 : vector<1000x512xf32>
    %reduce_sum3A_54 = arith.constant dense<0.000000e+00> : vector<512xf32>
    %reduce_sum3A_55 = vector.multi_reduction <add>, %mul3A_53, %reduce_sum3A_54 [0] : vector<1000x512xf32> to vector<512xf32>
    %broadcast_in_dim3A_56 = vector.shape_cast %reduce_sum3A_55 : vector<512xf32> to vector<1x512xf32>
    %add3A_57 = arith.addf %get3A_52, %broadcast_in_dim3A_56 : vector<1x512xf32>
    %swap3A_58 = arith.constant 0 : index
    %swap3A_59 = arith.constant 0 : index
    %swap3A_60 = vector.load %arg9[%swap3A_58, %swap3A_59] : memref<1x512xf32, #tpu.memory_space<vmem>>, vector<1x512xf32>
    tpu.vector_store %arg9[%swap3A_58, %swap3A_59], %add3A_57 {strides = array<i32>} : memref<1x512xf32, #tpu.memory_space<vmem>>, vector<1x512xf32>,
    return
  }
  func.func @transform_0(%arg0: i32) -> (i32, i32, i32) {
    %c0_i32 = arith.constant 0 : i32
    %c0_i32_0 = arith.constant 0 : i32
    %c0_i32_1 = arith.constant 0 : i32
    return %c0_i32, %arg0, %c0_i32_0 : i32, i32, i32
  }
  func.func @transform_1(%arg0: i32) -> (i32, i32) {
    %c0_i32 = arith.constant 0 : i32
    %c0_i32_0 = arith.constant 0 : i32
    return %arg0, %c0_i32 : i32, i32
  }
  func.func @transform_2(%arg0: i32) -> (i32, i32) {
    %c0_i32 = arith.constant 0 : i32
    %c0_i32_0 = arith.constant 0 : i32
    return %arg0, %c0_i32 : i32, i32
  }
  func.func @transform_3(%arg0: i32) -> (i32, i32) {
    %c0_i32 = arith.constant 0 : i32
    %c0_i32_0 = arith.constant 0 : i32
    %c0_i32_1 = arith.constant 0 : i32
    return %c0_i32, %c0_i32_0 : i32, i32
  }
  func.func @transform_4(%arg0: i32) -> (i32, i32) {
    %c0_i32 = arith.constant 0 : i32
    %c0_i32_0 = arith.constant 0 : i32
    %c0_i32_1 = arith.constant 0 : i32
    return %c0_i32, %c0_i32_0 : i32, i32
  }
  func.func @transform_5(%arg0: i32) -> (i32, i32) {
    %c0_i32 = arith.constant 0 : i32
    %c0_i32_0 = arith.constant 0 : i32
    %c0_i32_1 = arith.constant 0 : i32
    return %c0_i32, %c0_i32_0 : i32, i32
  }
  func.func @transform_6(%arg0: i32) -> (i32, i32) {
    %c0_i32 = arith.constant 0 : i32
    %c0_i32_0 = arith.constant 0 : i32
    return %arg0, %c0_i32 : i32, i32
  }
  func.func @transform_7(%arg0: i32) -> (i32, i32) {
    %c0_i32 = arith.constant 0 : i32
    %c0_i32_0 = arith.constant 0 : i32
    %c0_i32_1 = arith.constant 0 : i32
    return %c0_i32, %c0_i32_0 : i32, i32
  }
  func.func @transform_8(%arg0: i32) -> (i32, i32) {
    %c0_i32 = arith.constant 0 : i32
    %c0_i32_0 = arith.constant 0 : i32
    %c0_i32_1 = arith.constant 0 : i32
    return %c0_i32, %c0_i32_0 : i32, i32
  }
  func.func @transform_9(%arg0: i32) -> (i32, i32) {
    %c0_i32 = arith.constant 0 : i32
    %c0_i32_0 = arith.constant 0 : i32
    return %arg0, %c0_i32 : i32, i32
  }
}

module attributes {stable_mosaic.version = 14 : i64} {
  func.func @tc2_l1(%arg0: i32, %arg1: memref<1000x512xf32, #tpu.memory_space<vmem>>, %arg2: memref<1x512xf32, #tpu.memory_space<vmem>>, %arg3: memref<1x512xf32, #tpu.memory_space<vmem>>, %arg4: memref<1x512xf32, #tpu.memory_space<vmem>>, %arg5: memref<1x512xf32, #tpu.memory_space<vmem>>, %arg6: memref<512x256xf32, #tpu.memory_space<vmem>>, %arg7: memref<512x256xf32, #tpu.memory_space<vmem>>, %arg8: memref<1000x128xf32, #tpu.memory_space<vmem>>, %arg9: memref<1000x128xf32, #tpu.memory_space<vmem>>, %arg10: memref<1000x256xf32, #tpu.memory_space<vmem>>) attributes {dimension_semantics = [#tpu.dimension_semantics<arbitrary>], iteration_bounds = array<i64: 10>, scalar_prefetch = 0 : i64, scratch_operands = 0 : i64, tpu.core_type = #tpu.core_type<tc>, window_params = [{transform_indices = @transform_0, window_bounds = array<i64: 1000, 512>}, {pipeline_mode = #tpu.pipeline_mode<synchronous>, transform_indices = @transform_1, window_bounds = array<i64: 1, 512>}, {pipeline_mode = #tpu.pipeline_mode<synchronous>, transform_indices = @transform_2, window_bounds = array<i64: 1, 512>}, {pipeline_mode = #tpu.pipeline_mode<synchronous>, transform_indices = @transform_3, window_bounds = array<i64: 1, 512>}, {pipeline_mode = #tpu.pipeline_mode<synchronous>, transform_indices = @transform_4, window_bounds = array<i64: 1, 512>}, {pipeline_mode = #tpu.pipeline_mode<synchronous>, transform_indices = @transform_5, window_bounds = array<i64: 512, 256>}, {pipeline_mode = #tpu.pipeline_mode<synchronous>, transform_indices = @transform_6, window_bounds = array<i64: 512, 256>}, {transform_indices = @transform_7, window_bounds = array<i64: 1000, 128>}, {transform_indices = @transform_8, window_bounds = array<i64: 1000, 128>}, {transform_indices = @transform_9, window_bounds = array<i64: 1000, 256>}]} {
    %get3A = arith.constant 0 : index
    %get3A_0 = arith.constant 0 : index
    %get3A_1 = vector.load %arg1[%get3A, %get3A_0] : memref<1000x512xf32, #tpu.memory_space<vmem>>, vector<1000x512xf32>
    %get3A_2 = arith.constant 0 : index
    %get3A_3 = arith.constant 0 : index
    %get3A_4 = vector.load %arg2[%get3A_2, %get3A_3] : memref<1x512xf32, #tpu.memory_space<vmem>>, vector<1x512xf32>
    %mul3A = arith.constant 9.99999974E-5 : f32
    %mul3A_5 = vector.broadcast %mul3A : f32 to vector<1x512xf32>
    %mul3A_6 = arith.mulf %get3A_4, %mul3A_5 : vector<1x512xf32>
    %get3A_7 = arith.constant 0 : index
    %get3A_8 = arith.constant 0 : index
    %get3A_9 = vector.load %arg3[%get3A_7, %get3A_8] : memref<1x512xf32, #tpu.memory_space<vmem>>, vector<1x512xf32>
    %mul3A_10 = arith.constant 9.99999974E-5 : f32
    %mul3A_11 = vector.broadcast %mul3A_10 : f32 to vector<1x512xf32>
    %mul3A_12 = arith.mulf %get3A_9, %mul3A_11 : vector<1x512xf32>
    %mul3A_13 = arith.mulf %mul3A_6, %mul3A_6 : vector<1x512xf32>
    %sub3A = arith.subf %mul3A_12, %mul3A_13 : vector<1x512xf32>
    %get3A_14 = arith.constant 0 : index
    %get3A_15 = arith.constant 0 : index
    %get3A_16 = vector.load %arg4[%get3A_14, %get3A_15] : memref<1x512xf32, #tpu.memory_space<vmem>>, vector<1x512xf32>
    %add3A = arith.constant 9.99999974E-6 : f32
    %add3A_17 = vector.broadcast %add3A : f32 to vector<1x512xf32>
    %add3A_18 = arith.addf %sub3A, %add3A_17 : vector<1x512xf32>
    %rsqrt3A = math.rsqrt %add3A_18 : vector<1x512xf32>
    %mul3A_19 = arith.mulf %get3A_16, %rsqrt3A : vector<1x512xf32>
    %sub3A_20 = vector.broadcast %mul3A_6 : vector<1x512xf32> to vector<1000x512xf32>
    %sub3A_21 = arith.subf %get3A_1, %sub3A_20 : vector<1000x512xf32>
    %mul3A_22 = vector.broadcast %mul3A_19 : vector<1x512xf32> to vector<1000x512xf32>
    %mul3A_23 = arith.mulf %sub3A_21, %mul3A_22 : vector<1000x512xf32>
    %get3A_24 = arith.constant 0 : index
    %get3A_25 = arith.constant 0 : index
    %get3A_26 = vector.load %arg5[%get3A_24, %get3A_25] : memref<1x512xf32, #tpu.memory_space<vmem>>, vector<1x512xf32>
    %add3A_27 = vector.broadcast %get3A_26 : vector<1x512xf32> to vector<1000x512xf32>
    %add3A_28 = arith.addf %mul3A_23, %add3A_27 : vector<1000x512xf32>
    %max3A = arith.constant 0.000000e+00 : f32
    %max3A_29 = vector.broadcast %max3A : f32 to vector<1000x512xf32>
    %max3A_30 = arith.maximumf %add3A_28, %max3A_29 : vector<1000x512xf32>
    %get3A_31 = arith.constant 0 : index
    %get3A_32 = arith.constant 0 : index
    %get3A_33 = vector.load %arg6[%get3A_31, %get3A_32] : memref<512x256xf32, #tpu.memory_space<vmem>>, vector<512x256xf32>
    %dot_general3A = arith.constant dense<0.000000e+00> : vector<1000x256xf32>
    %dot_general3A_34 = tpu.matmul %max3A_30, %get3A_33, %dot_general3A {dimension_numbers = #tpu.dot_dimension_numbers<[1], [0], [0], [1], [0, 0, 1, 1], [], []>, precision = #tpu.contract_precision<fp32>, transpose_lhs_hint = false} : vector<1000x512xf32>, vector<512x256xf32>, vector<1000x256xf32> -> vector<1000x256xf32>
    %slice3A = vector.extract_strided_slice %dot_general3A_34 {offsets = [0, 0], sizes = [1000, 128], strides = [1, 1]} : vector<1000x256xf32> to vector<1000x128xf32>
    %swap3A = arith.constant 0 : index
    %swap3A_35 = arith.constant 0 : index
    %swap3A_36 = vector.load %arg8[%swap3A, %swap3A_35] : memref<1000x128xf32, #tpu.memory_space<vmem>>, vector<1000x128xf32>
    tpu.vector_store %arg8[%swap3A, %swap3A_35], %slice3A {strides = array<i32>} : memref<1000x128xf32, #tpu.memory_space<vmem>>, vector<1000x128xf32>,
    %slice3A_37 = vector.extract_strided_slice %dot_general3A_34 {offsets = [0, 128], sizes = [1000, 128], strides = [1, 1]} : vector<1000x256xf32> to vector<1000x128xf32>
    %swap3A_38 = arith.constant 0 : index
    %swap3A_39 = arith.constant 0 : index
    %swap3A_40 = vector.load %arg9[%swap3A_38, %swap3A_39] : memref<1000x128xf32, #tpu.memory_space<vmem>>, vector<1000x128xf32>
    tpu.vector_store %arg9[%swap3A_38, %swap3A_39], %slice3A_37 {strides = array<i32>} : memref<1000x128xf32, #tpu.memory_space<vmem>>, vector<1000x128xf32>,
    %get3A_41 = arith.constant 0 : index
    %get3A_42 = arith.constant 0 : index
    %get3A_43 = vector.load %arg7[%get3A_41, %get3A_42] : memref<512x256xf32, #tpu.memory_space<vmem>>, vector<512x256xf32>
    %dot_general3A_44 = arith.constant dense<0.000000e+00> : vector<1000x256xf32>
    %dot_general3A_45 = tpu.matmul %max3A_30, %get3A_43, %dot_general3A_44 {dimension_numbers = #tpu.dot_dimension_numbers<[1], [0], [0], [1], [0, 0, 1, 1], [], []>, precision = #tpu.contract_precision<fp32>, transpose_lhs_hint = false} : vector<1000x512xf32>, vector<512x256xf32>, vector<1000x256xf32> -> vector<1000x256xf32>
    %swap3A_46 = arith.constant 0 : index
    %swap3A_47 = arith.constant 0 : index
    %swap3A_48 = vector.load %arg10[%swap3A_46, %swap3A_47] : memref<1000x256xf32, #tpu.memory_space<vmem>>, vector<1000x256xf32>
    tpu.vector_store %arg10[%swap3A_46, %swap3A_47], %dot_general3A_45 {strides = array<i32>} : memref<1000x256xf32, #tpu.memory_space<vmem>>, vector<1000x256xf32>,
    return
  }
  func.func @transform_0(%arg0: i32) -> (i32, i32) {
    %c0_i32 = arith.constant 0 : i32
    %c0_i32_0 = arith.constant 0 : i32
    return %arg0, %c0_i32 : i32, i32
  }
  func.func @transform_1(%arg0: i32) -> (i32, i32) {
    %c0_i32 = arith.constant 0 : i32
    %c0_i32_0 = arith.constant 0 : i32
    %c0_i32_1 = arith.constant 0 : i32
    return %c0_i32, %c0_i32_0 : i32, i32
  }
  func.func @transform_2(%arg0: i32) -> (i32, i32) {
    %c0_i32 = arith.constant 0 : i32
    %c0_i32_0 = arith.constant 0 : i32
    %c0_i32_1 = arith.constant 0 : i32
    return %c0_i32, %c0_i32_0 : i32, i32
  }
  func.func @transform_3(%arg0: i32) -> (i32, i32) {
    %c0_i32 = arith.constant 0 : i32
    %c0_i32_0 = arith.constant 0 : i32
    %c0_i32_1 = arith.constant 0 : i32
    return %c0_i32, %c0_i32_0 : i32, i32
  }
  func.func @transform_4(%arg0: i32) -> (i32, i32) {
    %c0_i32 = arith.constant 0 : i32
    %c0_i32_0 = arith.constant 0 : i32
    %c0_i32_1 = arith.constant 0 : i32
    return %c0_i32, %c0_i32_0 : i32, i32
  }
  func.func @transform_5(%arg0: i32) -> (i32, i32) {
    %c0_i32 = arith.constant 0 : i32
    %c0_i32_0 = arith.constant 0 : i32
    %c0_i32_1 = arith.constant 0 : i32
    return %c0_i32, %c0_i32_0 : i32, i32
  }
  func.func @transform_6(%arg0: i32) -> (i32, i32) {
    %c0_i32 = arith.constant 0 : i32
    %c0_i32_0 = arith.constant 0 : i32
    %c0_i32_1 = arith.constant 0 : i32
    return %c0_i32, %c0_i32_0 : i32, i32
  }
  func.func @transform_7(%arg0: i32) -> (i32, i32) {
    %c0_i32 = arith.constant 0 : i32
    %c0_i32_0 = arith.constant 0 : i32
    return %arg0, %c0_i32 : i32, i32
  }
  func.func @transform_8(%arg0: i32) -> (i32, i32) {
    %c0_i32 = arith.constant 0 : i32
    %c0_i32_0 = arith.constant 0 : i32
    return %arg0, %c0_i32 : i32, i32
  }
  func.func @transform_9(%arg0: i32) -> (i32, i32) {
    %c0_i32 = arith.constant 0 : i32
    %c0_i32_0 = arith.constant 0 : i32
    return %arg0, %c0_i32 : i32, i32
  }
}

module attributes {stable_mosaic.version = 14 : i64} {
  func.func @tc1_l2(%arg0: i32, %arg1: memref<2x1000x128xf32, #tpu.memory_space<vmem>>, %arg2: memref<2x1000x128xf32, #tpu.memory_space<vmem>>, %arg3: memref<1000x1xf32, #tpu.memory_space<vmem>>, %arg4: memref<1000x256xf32, #tpu.memory_space<vmem>>, %arg5: memref<1x256xf32, #tpu.memory_space<vmem>>, %arg6: memref<1000x256xf32, #tpu.memory_space<vmem>>, %arg7: memref<1x256xf32, #tpu.memory_space<vmem>>, %arg8: memref<1x256xf32, #tpu.memory_space<vmem>>) attributes {dimension_semantics = [#tpu.dimension_semantics<arbitrary>], iteration_bounds = array<i64: 10>, scalar_prefetch = 0 : i64, scratch_operands = 0 : i64, tpu.core_type = #tpu.core_type<tc>, window_params = [{transform_indices = @transform_0, window_bounds = array<i64: 2, 1000, 128>}, {transform_indices = @transform_1, window_bounds = array<i64: 2, 1000, 128>}, {transform_indices = @transform_2, window_bounds = array<i64: 1000, 1>}, {transform_indices = @transform_3, window_bounds = array<i64: 1000, 256>}, {pipeline_mode = #tpu.pipeline_mode<synchronous>, transform_indices = @transform_4, window_bounds = array<i64: 1, 256>}, {transform_indices = @transform_5, window_bounds = array<i64: 1000, 256>}, {pipeline_mode = #tpu.pipeline_mode<synchronous>, transform_indices = @transform_6, window_bounds = array<i64: 1, 256>}, {pipeline_mode = #tpu.pipeline_mode<synchronous>, transform_indices = @transform_7, window_bounds = array<i64: 1, 256>}]} {
    %get3A = arith.constant 0 : index
    %get3A_0 = arith.constant 0 : index
    %get3A_1 = vector.load %arg3[%get3A, %get3A_0] : memref<1000x1xf32, #tpu.memory_space<vmem>>, vector<1000x1xf32>
    %get3A_2 = arith.constant 0 : index
    %get3A_3 = arith.constant 0 : index
    %get3A_4 = arith.constant 0 : index
    %get3A_5 = vector.load %arg1[%get3A_2, %get3A_3, %get3A_4] : memref<2x1000x128xf32, #tpu.memory_space<vmem>>, vector<1x1000x128xf32>
    %get3A_6 = vector.shape_cast %get3A_5 : vector<1x1000x128xf32> to vector<1000x128xf32>
    %get3A_7 = arith.constant 1 : index
    %get3A_8 = arith.constant 0 : index
    %get3A_9 = arith.constant 0 : index
    %get3A_10 = vector.load %arg1[%get3A_7, %get3A_8, %get3A_9] : memref<2x1000x128xf32, #tpu.memory_space<vmem>>, vector<1x1000x128xf32>
    %get3A_11 = vector.shape_cast %get3A_10 : vector<1x1000x128xf32> to vector<1000x128xf32>
    %add3A = arith.addf %get3A_6, %get3A_11 : vector<1000x128xf32>
    %mul3A = vector.broadcast %get3A_1 : vector<1000x1xf32> to vector<1000x128xf32>
    %mul3A_12 = arith.mulf %add3A, %mul3A : vector<1000x128xf32>
    %get3A_13 = arith.constant 0 : index
    %get3A_14 = arith.constant 0 : index
    %get3A_15 = arith.constant 0 : index
    %get3A_16 = vector.load %arg2[%get3A_13, %get3A_14, %get3A_15] : memref<2x1000x128xf32, #tpu.memory_space<vmem>>, vector<1x1000x128xf32>
    %get3A_17 = vector.shape_cast %get3A_16 : vector<1x1000x128xf32> to vector<1000x128xf32>
    %get3A_18 = arith.constant 1 : index
    %get3A_19 = arith.constant 0 : index
    %get3A_20 = arith.constant 0 : index
    %get3A_21 = vector.load %arg2[%get3A_18, %get3A_19, %get3A_20] : memref<2x1000x128xf32, #tpu.memory_space<vmem>>, vector<1x1000x128xf32>
    %get3A_22 = vector.shape_cast %get3A_21 : vector<1x1000x128xf32> to vector<1000x128xf32>
    %add3A_23 = arith.addf %get3A_17, %get3A_22 : vector<1000x128xf32>
    %mul3A_24 = vector.broadcast %get3A_1 : vector<1000x1xf32> to vector<1000x128xf32>
    %mul3A_25 = arith.mulf %add3A_23, %mul3A_24 : vector<1000x128xf32>
    %concatenate3A = tpu.concatenate %mul3A_12, %mul3A_25 in 1 : vector<1000x128xf32>, vector<1000x128xf32> -> vector<1000x256xf32>
    %get3A_26 = arith.constant 0 : index
    %get3A_27 = arith.constant 0 : index
    %get3A_28 = vector.load %arg5[%get3A_26, %get3A_27] : memref<1x256xf32, #tpu.memory_space<vmem>>, vector<1x256xf32>
    %add3A_29 = vector.broadcast %get3A_28 : vector<1x256xf32> to vector<1000x256xf32>
    %add3A_30 = arith.addf %concatenate3A, %add3A_29 : vector<1000x256xf32>
    %get3A_31 = arith.constant 0 : index
    %get3A_32 = arith.constant 0 : index
    %get3A_33 = vector.load %arg4[%get3A_31, %get3A_32] : memref<1000x256xf32, #tpu.memory_space<vmem>>, vector<1000x256xf32>
    %add3A_34 = arith.addf %add3A_30, %get3A_33 : vector<1000x256xf32>
    %swap3A = arith.constant 0 : index
    %swap3A_35 = arith.constant 0 : index
    %swap3A_36 = vector.load %arg6[%swap3A, %swap3A_35] : memref<1000x256xf32, #tpu.memory_space<vmem>>, vector<1000x256xf32>
    tpu.vector_store %arg6[%swap3A, %swap3A_35], %add3A_34 {strides = array<i32>} : memref<1000x256xf32, #tpu.memory_space<vmem>>, vector<1000x256xf32>,
    %eq3A = arith.constant 0 : i32
    %eq3A_37 = arith.cmpi eq, %arg0, %eq3A : i32
    %convert_element_type3A = arith.extui %eq3A_37 : i1 to i32
    %cond3A = arith.constant 0 : i32
    %cond3A_38 = arith.cmpi ne, %convert_element_type3A, %cond3A : i32
    scf.if %cond3A_38 {
      %broadcast_in_dim3A_58 = arith.constant 0.000000e+00 : f32
      %broadcast_in_dim3A_59 = vector.broadcast %broadcast_in_dim3A_58 : f32 to vector<1x256xf32>
      %swap3A_60 = arith.constant 0 : index
      %swap3A_61 = arith.constant 0 : index
      %swap3A_62 = vector.load %arg7[%swap3A_60, %swap3A_61] : memref<1x256xf32, #tpu.memory_space<vmem>>, vector<1x256xf32>
      tpu.vector_store %arg7[%swap3A_60, %swap3A_61], %broadcast_in_dim3A_59 {strides = array<i32>} : memref<1x256xf32, #tpu.memory_space<vmem>>, vector<1x256xf32>,
      %broadcast_in_dim3A_63 = arith.constant 0.000000e+00 : f32
      %broadcast_in_dim3A_64 = vector.broadcast %broadcast_in_dim3A_63 : f32 to vector<1x256xf32>
      %swap3A_65 = arith.constant 0 : index
      %swap3A_66 = arith.constant 0 : index
      %swap3A_67 = vector.load %arg8[%swap3A_65, %swap3A_66] : memref<1x256xf32, #tpu.memory_space<vmem>>, vector<1x256xf32>
      tpu.vector_store %arg8[%swap3A_65, %swap3A_66], %broadcast_in_dim3A_64 {strides = array<i32>} : memref<1x256xf32, #tpu.memory_space<vmem>>, vector<1x256xf32>,
    } else {
    }
    %get3A_39 = arith.constant 0 : index
    %get3A_40 = arith.constant 0 : index
    %get3A_41 = vector.load %arg7[%get3A_39, %get3A_40] : memref<1x256xf32, #tpu.memory_space<vmem>>, vector<1x256xf32>
    %reduce_sum3A = arith.constant dense<0.000000e+00> : vector<256xf32>
    %reduce_sum3A_42 = vector.multi_reduction <add>, %add3A_34, %reduce_sum3A [0] : vector<1000x256xf32> to vector<256xf32>
    %broadcast_in_dim3A = vector.shape_cast %reduce_sum3A_42 : vector<256xf32> to vector<1x256xf32>
    %add3A_43 = arith.addf %get3A_41, %broadcast_in_dim3A : vector<1x256xf32>
    %swap3A_44 = arith.constant 0 : index
    %swap3A_45 = arith.constant 0 : index
    %swap3A_46 = vector.load %arg7[%swap3A_44, %swap3A_45] : memref<1x256xf32, #tpu.memory_space<vmem>>, vector<1x256xf32>
    tpu.vector_store %arg7[%swap3A_44, %swap3A_45], %add3A_43 {strides = array<i32>} : memref<1x256xf32, #tpu.memory_space<vmem>>, vector<1x256xf32>,
    %get3A_47 = arith.constant 0 : index
    %get3A_48 = arith.constant 0 : index
    %get3A_49 = vector.load %arg8[%get3A_47, %get3A_48] : memref<1x256xf32, #tpu.memory_space<vmem>>, vector<1x256xf32>
    %mul3A_50 = arith.mulf %add3A_34, %add3A_34 : vector<1000x256xf32>
    %reduce_sum3A_51 = arith.constant dense<0.000000e+00> : vector<256xf32>
    %reduce_sum3A_52 = vector.multi_reduction <add>, %mul3A_50, %reduce_sum3A_51 [0] : vector<1000x256xf32> to vector<256xf32>
    %broadcast_in_dim3A_53 = vector.shape_cast %reduce_sum3A_52 : vector<256xf32> to vector<1x256xf32>
    %add3A_54 = arith.addf %get3A_49, %broadcast_in_dim3A_53 : vector<1x256xf32>
    %swap3A_55 = arith.constant 0 : index
    %swap3A_56 = arith.constant 0 : index
    %swap3A_57 = vector.load %arg8[%swap3A_55, %swap3A_56] : memref<1x256xf32, #tpu.memory_space<vmem>>, vector<1x256xf32>
    tpu.vector_store %arg8[%swap3A_55, %swap3A_56], %add3A_54 {strides = array<i32>} : memref<1x256xf32, #tpu.memory_space<vmem>>, vector<1x256xf32>,
    return
  }
  func.func @transform_0(%arg0: i32) -> (i32, i32, i32) {
    %c0_i32 = arith.constant 0 : i32
    %c0_i32_0 = arith.constant 0 : i32
    %c0_i32_1 = arith.constant 0 : i32
    return %c0_i32, %arg0, %c0_i32_0 : i32, i32, i32
  }
  func.func @transform_1(%arg0: i32) -> (i32, i32, i32) {
    %c0_i32 = arith.constant 0 : i32
    %c0_i32_0 = arith.constant 0 : i32
    %c0_i32_1 = arith.constant 0 : i32
    return %c0_i32, %arg0, %c0_i32_0 : i32, i32, i32
  }
  func.func @transform_2(%arg0: i32) -> (i32, i32) {
    %c0_i32 = arith.constant 0 : i32
    %c0_i32_0 = arith.constant 0 : i32
    return %arg0, %c0_i32 : i32, i32
  }
  func.func @transform_3(%arg0: i32) -> (i32, i32) {
    %c0_i32 = arith.constant 0 : i32
    %c0_i32_0 = arith.constant 0 : i32
    return %arg0, %c0_i32 : i32, i32
  }
  func.func @transform_4(%arg0: i32) -> (i32, i32) {
    %c0_i32 = arith.constant 0 : i32
    %c0_i32_0 = arith.constant 0 : i32
    %c0_i32_1 = arith.constant 0 : i32
    return %c0_i32, %c0_i32_0 : i32, i32
  }
  func.func @transform_5(%arg0: i32) -> (i32, i32) {
    %c0_i32 = arith.constant 0 : i32
    %c0_i32_0 = arith.constant 0 : i32
    return %arg0, %c0_i32 : i32, i32
  }
  func.func @transform_6(%arg0: i32) -> (i32, i32) {
    %c0_i32 = arith.constant 0 : i32
    %c0_i32_0 = arith.constant 0 : i32
    %c0_i32_1 = arith.constant 0 : i32
    return %c0_i32, %c0_i32_0 : i32, i32
  }
  func.func @transform_7(%arg0: i32) -> (i32, i32) {
    %c0_i32 = arith.constant 0 : i32
    %c0_i32_0 = arith.constant 0 : i32
    %c0_i32_1 = arith.constant 0 : i32
    return %c0_i32, %c0_i32_0 : i32, i32
  }
}

module attributes {stable_mosaic.version = 14 : i64} {
  func.func @tc2_l2(%arg0: i32, %arg1: memref<1000x256xf32, #tpu.memory_space<vmem>>, %arg2: memref<1x256xf32, #tpu.memory_space<vmem>>, %arg3: memref<1x256xf32, #tpu.memory_space<vmem>>, %arg4: memref<1x256xf32, #tpu.memory_space<vmem>>, %arg5: memref<1x256xf32, #tpu.memory_space<vmem>>, %arg6: memref<256x128xf32, #tpu.memory_space<vmem>>, %arg7: memref<256x128xf32, #tpu.memory_space<vmem>>, %arg8: memref<1000x128xf32, #tpu.memory_space<vmem>>, %arg9: memref<1000x128xf32, #tpu.memory_space<vmem>>) attributes {dimension_semantics = [#tpu.dimension_semantics<arbitrary>], iteration_bounds = array<i64: 10>, scalar_prefetch = 0 : i64, scratch_operands = 0 : i64, tpu.core_type = #tpu.core_type<tc>, window_params = [{transform_indices = @transform_0, window_bounds = array<i64: 1000, 256>}, {pipeline_mode = #tpu.pipeline_mode<synchronous>, transform_indices = @transform_1, window_bounds = array<i64: 1, 256>}, {pipeline_mode = #tpu.pipeline_mode<synchronous>, transform_indices = @transform_2, window_bounds = array<i64: 1, 256>}, {pipeline_mode = #tpu.pipeline_mode<synchronous>, transform_indices = @transform_3, window_bounds = array<i64: 1, 256>}, {pipeline_mode = #tpu.pipeline_mode<synchronous>, transform_indices = @transform_4, window_bounds = array<i64: 1, 256>}, {pipeline_mode = #tpu.pipeline_mode<synchronous>, transform_indices = @transform_5, window_bounds = array<i64: 256, 128>}, {pipeline_mode = #tpu.pipeline_mode<synchronous>, transform_indices = @transform_6, window_bounds = array<i64: 256, 128>}, {transform_indices = @transform_7, window_bounds = array<i64: 1000, 128>}, {transform_indices = @transform_8, window_bounds = array<i64: 1000, 128>}]} {
    %get3A = arith.constant 0 : index
    %get3A_0 = arith.constant 0 : index
    %get3A_1 = vector.load %arg1[%get3A, %get3A_0] : memref<1000x256xf32, #tpu.memory_space<vmem>>, vector<1000x256xf32>
    %get3A_2 = arith.constant 0 : index
    %get3A_3 = arith.constant 0 : index
    %get3A_4 = vector.load %arg2[%get3A_2, %get3A_3] : memref<1x256xf32, #tpu.memory_space<vmem>>, vector<1x256xf32>
    %mul3A = arith.constant 9.99999974E-5 : f32
    %mul3A_5 = vector.broadcast %mul3A : f32 to vector<1x256xf32>
    %mul3A_6 = arith.mulf %get3A_4, %mul3A_5 : vector<1x256xf32>
    %get3A_7 = arith.constant 0 : index
    %get3A_8 = arith.constant 0 : index
    %get3A_9 = vector.load %arg3[%get3A_7, %get3A_8] : memref<1x256xf32, #tpu.memory_space<vmem>>, vector<1x256xf32>
    %mul3A_10 = arith.constant 9.99999974E-5 : f32
    %mul3A_11 = vector.broadcast %mul3A_10 : f32 to vector<1x256xf32>
    %mul3A_12 = arith.mulf %get3A_9, %mul3A_11 : vector<1x256xf32>
    %mul3A_13 = arith.mulf %mul3A_6, %mul3A_6 : vector<1x256xf32>
    %sub3A = arith.subf %mul3A_12, %mul3A_13 : vector<1x256xf32>
    %get3A_14 = arith.constant 0 : index
    %get3A_15 = arith.constant 0 : index
    %get3A_16 = vector.load %arg4[%get3A_14, %get3A_15] : memref<1x256xf32, #tpu.memory_space<vmem>>, vector<1x256xf32>
    %add3A = arith.constant 9.99999974E-6 : f32
    %add3A_17 = vector.broadcast %add3A : f32 to vector<1x256xf32>
    %add3A_18 = arith.addf %sub3A, %add3A_17 : vector<1x256xf32>
    %rsqrt3A = math.rsqrt %add3A_18 : vector<1x256xf32>
    %mul3A_19 = arith.mulf %get3A_16, %rsqrt3A : vector<1x256xf32>
    %sub3A_20 = vector.broadcast %mul3A_6 : vector<1x256xf32> to vector<1000x256xf32>
    %sub3A_21 = arith.subf %get3A_1, %sub3A_20 : vector<1000x256xf32>
    %mul3A_22 = vector.broadcast %mul3A_19 : vector<1x256xf32> to vector<1000x256xf32>
    %mul3A_23 = arith.mulf %sub3A_21, %mul3A_22 : vector<1000x256xf32>
    %get3A_24 = arith.constant 0 : index
    %get3A_25 = arith.constant 0 : index
    %get3A_26 = vector.load %arg5[%get3A_24, %get3A_25] : memref<1x256xf32, #tpu.memory_space<vmem>>, vector<1x256xf32>
    %add3A_27 = vector.broadcast %get3A_26 : vector<1x256xf32> to vector<1000x256xf32>
    %add3A_28 = arith.addf %mul3A_23, %add3A_27 : vector<1000x256xf32>
    %max3A = arith.constant 0.000000e+00 : f32
    %max3A_29 = vector.broadcast %max3A : f32 to vector<1000x256xf32>
    %max3A_30 = arith.maximumf %add3A_28, %max3A_29 : vector<1000x256xf32>
    %get3A_31 = arith.constant 0 : index
    %get3A_32 = arith.constant 0 : index
    %get3A_33 = vector.load %arg6[%get3A_31, %get3A_32] : memref<256x128xf32, #tpu.memory_space<vmem>>, vector<256x128xf32>
    %dot_general3A = arith.constant dense<0.000000e+00> : vector<1000x128xf32>
    %dot_general3A_34 = tpu.matmul %max3A_30, %get3A_33, %dot_general3A {dimension_numbers = #tpu.dot_dimension_numbers<[1], [0], [0], [1], [0, 0, 1, 1], [], []>, precision = #tpu.contract_precision<fp32>, transpose_lhs_hint = false} : vector<1000x256xf32>, vector<256x128xf32>, vector<1000x128xf32> -> vector<1000x128xf32>
    %swap3A = arith.constant 0 : index
    %swap3A_35 = arith.constant 0 : index
    %swap3A_36 = vector.load %arg8[%swap3A, %swap3A_35] : memref<1000x128xf32, #tpu.memory_space<vmem>>, vector<1000x128xf32>
    tpu.vector_store %arg8[%swap3A, %swap3A_35], %dot_general3A_34 {strides = array<i32>} : memref<1000x128xf32, #tpu.memory_space<vmem>>, vector<1000x128xf32>,
    %get3A_37 = arith.constant 0 : index
    %get3A_38 = arith.constant 0 : index
    %get3A_39 = vector.load %arg7[%get3A_37, %get3A_38] : memref<256x128xf32, #tpu.memory_space<vmem>>, vector<256x128xf32>
    %dot_general3A_40 = arith.constant dense<0.000000e+00> : vector<1000x128xf32>
    %dot_general3A_41 = tpu.matmul %max3A_30, %get3A_39, %dot_general3A_40 {dimension_numbers = #tpu.dot_dimension_numbers<[1], [0], [0], [1], [0, 0, 1, 1], [], []>, precision = #tpu.contract_precision<fp32>, transpose_lhs_hint = false} : vector<1000x256xf32>, vector<256x128xf32>, vector<1000x128xf32> -> vector<1000x128xf32>
    %swap3A_42 = arith.constant 0 : index
    %swap3A_43 = arith.constant 0 : index
    %swap3A_44 = vector.load %arg9[%swap3A_42, %swap3A_43] : memref<1000x128xf32, #tpu.memory_space<vmem>>, vector<1000x128xf32>
    tpu.vector_store %arg9[%swap3A_42, %swap3A_43], %dot_general3A_41 {strides = array<i32>} : memref<1000x128xf32, #tpu.memory_space<vmem>>, vector<1000x128xf32>,
    return
  }
  func.func @transform_0(%arg0: i32) -> (i32, i32) {
    %c0_i32 = arith.constant 0 : i32
    %c0_i32_0 = arith.constant 0 : i32
    return %arg0, %c0_i32 : i32, i32
  }
  func.func @transform_1(%arg0: i32) -> (i32, i32) {
    %c0_i32 = arith.constant 0 : i32
    %c0_i32_0 = arith.constant 0 : i32
    %c0_i32_1 = arith.constant 0 : i32
    return %c0_i32, %c0_i32_0 : i32, i32
  }
  func.func @transform_2(%arg0: i32) -> (i32, i32) {
    %c0_i32 = arith.constant 0 : i32
    %c0_i32_0 = arith.constant 0 : i32
    %c0_i32_1 = arith.constant 0 : i32
    return %c0_i32, %c0_i32_0 : i32, i32
  }
  func.func @transform_3(%arg0: i32) -> (i32, i32) {
    %c0_i32 = arith.constant 0 : i32
    %c0_i32_0 = arith.constant 0 : i32
    %c0_i32_1 = arith.constant 0 : i32
    return %c0_i32, %c0_i32_0 : i32, i32
  }
  func.func @transform_4(%arg0: i32) -> (i32, i32) {
    %c0_i32 = arith.constant 0 : i32
    %c0_i32_0 = arith.constant 0 : i32
    %c0_i32_1 = arith.constant 0 : i32
    return %c0_i32, %c0_i32_0 : i32, i32
  }
  func.func @transform_5(%arg0: i32) -> (i32, i32) {
    %c0_i32 = arith.constant 0 : i32
    %c0_i32_0 = arith.constant 0 : i32
    %c0_i32_1 = arith.constant 0 : i32
    return %c0_i32, %c0_i32_0 : i32, i32
  }
  func.func @transform_6(%arg0: i32) -> (i32, i32) {
    %c0_i32 = arith.constant 0 : i32
    %c0_i32_0 = arith.constant 0 : i32
    %c0_i32_1 = arith.constant 0 : i32
    return %c0_i32, %c0_i32_0 : i32, i32
  }
  func.func @transform_7(%arg0: i32) -> (i32, i32) {
    %c0_i32 = arith.constant 0 : i32
    %c0_i32_0 = arith.constant 0 : i32
    return %arg0, %c0_i32 : i32, i32
  }
  func.func @transform_8(%arg0: i32) -> (i32, i32) {
    %c0_i32 = arith.constant 0 : i32
    %c0_i32_0 = arith.constant 0 : i32
    return %arg0, %c0_i32 : i32, i32
  }
}

module attributes {stable_mosaic.version = 14 : i64} {
  func.func @tc1_l3(%arg0: i32, %arg1: memref<2x1000x128xf32, #tpu.memory_space<vmem>>, %arg2: memref<1000x1xf32, #tpu.memory_space<vmem>>, %arg3: memref<1000x128xf32, #tpu.memory_space<vmem>>, %arg4: memref<1x128xf32, #tpu.memory_space<vmem>>, %arg5: memref<1000x128xf32, #tpu.memory_space<vmem>>, %arg6: memref<1x128xf32, #tpu.memory_space<vmem>>, %arg7: memref<1x128xf32, #tpu.memory_space<vmem>>) attributes {dimension_semantics = [#tpu.dimension_semantics<arbitrary>], iteration_bounds = array<i64: 10>, scalar_prefetch = 0 : i64, scratch_operands = 0 : i64, tpu.core_type = #tpu.core_type<tc>, window_params = [{transform_indices = @transform_0, window_bounds = array<i64: 2, 1000, 128>}, {transform_indices = @transform_1, window_bounds = array<i64: 1000, 1>}, {transform_indices = @transform_2, window_bounds = array<i64: 1000, 128>}, {pipeline_mode = #tpu.pipeline_mode<synchronous>, transform_indices = @transform_3, window_bounds = array<i64: 1, 128>}, {transform_indices = @transform_4, window_bounds = array<i64: 1000, 128>}, {pipeline_mode = #tpu.pipeline_mode<synchronous>, transform_indices = @transform_5, window_bounds = array<i64: 1, 128>}, {pipeline_mode = #tpu.pipeline_mode<synchronous>, transform_indices = @transform_6, window_bounds = array<i64: 1, 128>}]} {
    %get3A = arith.constant 0 : index
    %get3A_0 = arith.constant 0 : index
    %get3A_1 = arith.constant 0 : index
    %get3A_2 = vector.load %arg1[%get3A, %get3A_0, %get3A_1] : memref<2x1000x128xf32, #tpu.memory_space<vmem>>, vector<1x1000x128xf32>
    %get3A_3 = vector.shape_cast %get3A_2 : vector<1x1000x128xf32> to vector<1000x128xf32>
    %get3A_4 = arith.constant 1 : index
    %get3A_5 = arith.constant 0 : index
    %get3A_6 = arith.constant 0 : index
    %get3A_7 = vector.load %arg1[%get3A_4, %get3A_5, %get3A_6] : memref<2x1000x128xf32, #tpu.memory_space<vmem>>, vector<1x1000x128xf32>
    %get3A_8 = vector.shape_cast %get3A_7 : vector<1x1000x128xf32> to vector<1000x128xf32>
    %add3A = arith.addf %get3A_3, %get3A_8 : vector<1000x128xf32>
    %get3A_9 = arith.constant 0 : index
    %get3A_10 = arith.constant 0 : index
    %get3A_11 = vector.load %arg2[%get3A_9, %get3A_10] : memref<1000x1xf32, #tpu.memory_space<vmem>>, vector<1000x1xf32>
    %mul3A = vector.broadcast %get3A_11 : vector<1000x1xf32> to vector<1000x128xf32>
    %mul3A_12 = arith.mulf %add3A, %mul3A : vector<1000x128xf32>
    %get3A_13 = arith.constant 0 : index
    %get3A_14 = arith.constant 0 : index
    %get3A_15 = vector.load %arg4[%get3A_13, %get3A_14] : memref<1x128xf32, #tpu.memory_space<vmem>>, vector<1x128xf32>
    %add3A_16 = vector.broadcast %get3A_15 : vector<1x128xf32> to vector<1000x128xf32>
    %add3A_17 = arith.addf %mul3A_12, %add3A_16 : vector<1000x128xf32>
    %get3A_18 = arith.constant 0 : index
    %get3A_19 = arith.constant 0 : index
    %get3A_20 = vector.load %arg3[%get3A_18, %get3A_19] : memref<1000x128xf32, #tpu.memory_space<vmem>>, vector<1000x128xf32>
    %add3A_21 = arith.addf %add3A_17, %get3A_20 : vector<1000x128xf32>
    %swap3A = arith.constant 0 : index
    %swap3A_22 = arith.constant 0 : index
    %swap3A_23 = vector.load %arg5[%swap3A, %swap3A_22] : memref<1000x128xf32, #tpu.memory_space<vmem>>, vector<1000x128xf32>
    tpu.vector_store %arg5[%swap3A, %swap3A_22], %add3A_21 {strides = array<i32>} : memref<1000x128xf32, #tpu.memory_space<vmem>>, vector<1000x128xf32>,
    %eq3A = arith.constant 0 : i32
    %eq3A_24 = arith.cmpi eq, %arg0, %eq3A : i32
    %convert_element_type3A = arith.extui %eq3A_24 : i1 to i32
    %cond3A = arith.constant 0 : i32
    %cond3A_25 = arith.cmpi ne, %convert_element_type3A, %cond3A : i32
    scf.if %cond3A_25 {
      %broadcast_in_dim3A_45 = arith.constant 0.000000e+00 : f32
      %broadcast_in_dim3A_46 = vector.broadcast %broadcast_in_dim3A_45 : f32 to vector<1x128xf32>
      %swap3A_47 = arith.constant 0 : index
      %swap3A_48 = arith.constant 0 : index
      %swap3A_49 = vector.load %arg6[%swap3A_47, %swap3A_48] : memref<1x128xf32, #tpu.memory_space<vmem>>, vector<1x128xf32>
      tpu.vector_store %arg6[%swap3A_47, %swap3A_48], %broadcast_in_dim3A_46 {strides = array<i32>} : memref<1x128xf32, #tpu.memory_space<vmem>>, vector<1x128xf32>,
      %broadcast_in_dim3A_50 = arith.constant 0.000000e+00 : f32
      %broadcast_in_dim3A_51 = vector.broadcast %broadcast_in_dim3A_50 : f32 to vector<1x128xf32>
      %swap3A_52 = arith.constant 0 : index
      %swap3A_53 = arith.constant 0 : index
      %swap3A_54 = vector.load %arg7[%swap3A_52, %swap3A_53] : memref<1x128xf32, #tpu.memory_space<vmem>>, vector<1x128xf32>
      tpu.vector_store %arg7[%swap3A_52, %swap3A_53], %broadcast_in_dim3A_51 {strides = array<i32>} : memref<1x128xf32, #tpu.memory_space<vmem>>, vector<1x128xf32>,
    } else {
    }
    %get3A_26 = arith.constant 0 : index
    %get3A_27 = arith.constant 0 : index
    %get3A_28 = vector.load %arg6[%get3A_26, %get3A_27] : memref<1x128xf32, #tpu.memory_space<vmem>>, vector<1x128xf32>
    %reduce_sum3A = arith.constant dense<0.000000e+00> : vector<128xf32>
    %reduce_sum3A_29 = vector.multi_reduction <add>, %add3A_21, %reduce_sum3A [0] : vector<1000x128xf32> to vector<128xf32>
    %broadcast_in_dim3A = vector.shape_cast %reduce_sum3A_29 : vector<128xf32> to vector<1x128xf32>
    %add3A_30 = arith.addf %get3A_28, %broadcast_in_dim3A : vector<1x128xf32>
    %swap3A_31 = arith.constant 0 : index
    %swap3A_32 = arith.constant 0 : index
    %swap3A_33 = vector.load %arg6[%swap3A_31, %swap3A_32] : memref<1x128xf32, #tpu.memory_space<vmem>>, vector<1x128xf32>
    tpu.vector_store %arg6[%swap3A_31, %swap3A_32], %add3A_30 {strides = array<i32>} : memref<1x128xf32, #tpu.memory_space<vmem>>, vector<1x128xf32>,
    %get3A_34 = arith.constant 0 : index
    %get3A_35 = arith.constant 0 : index
    %get3A_36 = vector.load %arg7[%get3A_34, %get3A_35] : memref<1x128xf32, #tpu.memory_space<vmem>>, vector<1x128xf32>
    %mul3A_37 = arith.mulf %add3A_21, %add3A_21 : vector<1000x128xf32>
    %reduce_sum3A_38 = arith.constant dense<0.000000e+00> : vector<128xf32>
    %reduce_sum3A_39 = vector.multi_reduction <add>, %mul3A_37, %reduce_sum3A_38 [0] : vector<1000x128xf32> to vector<128xf32>
    %broadcast_in_dim3A_40 = vector.shape_cast %reduce_sum3A_39 : vector<128xf32> to vector<1x128xf32>
    %add3A_41 = arith.addf %get3A_36, %broadcast_in_dim3A_40 : vector<1x128xf32>
    %swap3A_42 = arith.constant 0 : index
    %swap3A_43 = arith.constant 0 : index
    %swap3A_44 = vector.load %arg7[%swap3A_42, %swap3A_43] : memref<1x128xf32, #tpu.memory_space<vmem>>, vector<1x128xf32>
    tpu.vector_store %arg7[%swap3A_42, %swap3A_43], %add3A_41 {strides = array<i32>} : memref<1x128xf32, #tpu.memory_space<vmem>>, vector<1x128xf32>,
    return
  }
  func.func @transform_0(%arg0: i32) -> (i32, i32, i32) {
    %c0_i32 = arith.constant 0 : i32
    %c0_i32_0 = arith.constant 0 : i32
    %c0_i32_1 = arith.constant 0 : i32
    return %c0_i32, %arg0, %c0_i32_0 : i32, i32, i32
  }
  func.func @transform_1(%arg0: i32) -> (i32, i32) {
    %c0_i32 = arith.constant 0 : i32
    %c0_i32_0 = arith.constant 0 : i32
    return %arg0, %c0_i32 : i32, i32
  }
  func.func @transform_2(%arg0: i32) -> (i32, i32) {
    %c0_i32 = arith.constant 0 : i32
    %c0_i32_0 = arith.constant 0 : i32
    return %arg0, %c0_i32 : i32, i32
  }
  func.func @transform_3(%arg0: i32) -> (i32, i32) {
    %c0_i32 = arith.constant 0 : i32
    %c0_i32_0 = arith.constant 0 : i32
    %c0_i32_1 = arith.constant 0 : i32
    return %c0_i32, %c0_i32_0 : i32, i32
  }
  func.func @transform_4(%arg0: i32) -> (i32, i32) {
    %c0_i32 = arith.constant 0 : i32
    %c0_i32_0 = arith.constant 0 : i32
    return %arg0, %c0_i32 : i32, i32
  }
  func.func @transform_5(%arg0: i32) -> (i32, i32) {
    %c0_i32 = arith.constant 0 : i32
    %c0_i32_0 = arith.constant 0 : i32
    %c0_i32_1 = arith.constant 0 : i32
    return %c0_i32, %c0_i32_0 : i32, i32
  }
  func.func @transform_6(%arg0: i32) -> (i32, i32) {
    %c0_i32 = arith.constant 0 : i32
    %c0_i32_0 = arith.constant 0 : i32
    %c0_i32_1 = arith.constant 0 : i32
    return %c0_i32, %c0_i32_0 : i32, i32
  }
}

module attributes {stable_mosaic.version = 14 : i64} {
  func.func @tc2_l3(%arg0: i32, %arg1: memref<1000x128xf32, #tpu.memory_space<vmem>>, %arg2: memref<1x128xf32, #tpu.memory_space<vmem>>, %arg3: memref<1x128xf32, #tpu.memory_space<vmem>>, %arg4: memref<1x128xf32, #tpu.memory_space<vmem>>, %arg5: memref<1x128xf32, #tpu.memory_space<vmem>>, %arg6: memref<1000x128xf32, #tpu.memory_space<vmem>>) attributes {dimension_semantics = [#tpu.dimension_semantics<arbitrary>], iteration_bounds = array<i64: 10>, scalar_prefetch = 0 : i64, scratch_operands = 0 : i64, tpu.core_type = #tpu.core_type<tc>, window_params = [{transform_indices = @transform_0, window_bounds = array<i64: 1000, 128>}, {pipeline_mode = #tpu.pipeline_mode<synchronous>, transform_indices = @transform_1, window_bounds = array<i64: 1, 128>}, {pipeline_mode = #tpu.pipeline_mode<synchronous>, transform_indices = @transform_2, window_bounds = array<i64: 1, 128>}, {pipeline_mode = #tpu.pipeline_mode<synchronous>, transform_indices = @transform_3, window_bounds = array<i64: 1, 128>}, {pipeline_mode = #tpu.pipeline_mode<synchronous>, transform_indices = @transform_4, window_bounds = array<i64: 1, 128>}, {transform_indices = @transform_5, window_bounds = array<i64: 1000, 128>}]} {
    %get3A = arith.constant 0 : index
    %get3A_0 = arith.constant 0 : index
    %get3A_1 = vector.load %arg1[%get3A, %get3A_0] : memref<1000x128xf32, #tpu.memory_space<vmem>>, vector<1000x128xf32>
    %get3A_2 = arith.constant 0 : index
    %get3A_3 = arith.constant 0 : index
    %get3A_4 = vector.load %arg2[%get3A_2, %get3A_3] : memref<1x128xf32, #tpu.memory_space<vmem>>, vector<1x128xf32>
    %mul3A = arith.constant 9.99999974E-5 : f32
    %mul3A_5 = vector.broadcast %mul3A : f32 to vector<1x128xf32>
    %mul3A_6 = arith.mulf %get3A_4, %mul3A_5 : vector<1x128xf32>
    %get3A_7 = arith.constant 0 : index
    %get3A_8 = arith.constant 0 : index
    %get3A_9 = vector.load %arg3[%get3A_7, %get3A_8] : memref<1x128xf32, #tpu.memory_space<vmem>>, vector<1x128xf32>
    %mul3A_10 = arith.constant 9.99999974E-5 : f32
    %mul3A_11 = vector.broadcast %mul3A_10 : f32 to vector<1x128xf32>
    %mul3A_12 = arith.mulf %get3A_9, %mul3A_11 : vector<1x128xf32>
    %mul3A_13 = arith.mulf %mul3A_6, %mul3A_6 : vector<1x128xf32>
    %sub3A = arith.subf %mul3A_12, %mul3A_13 : vector<1x128xf32>
    %get3A_14 = arith.constant 0 : index
    %get3A_15 = arith.constant 0 : index
    %get3A_16 = vector.load %arg4[%get3A_14, %get3A_15] : memref<1x128xf32, #tpu.memory_space<vmem>>, vector<1x128xf32>
    %add3A = arith.constant 9.99999974E-6 : f32
    %add3A_17 = vector.broadcast %add3A : f32 to vector<1x128xf32>
    %add3A_18 = arith.addf %sub3A, %add3A_17 : vector<1x128xf32>
    %rsqrt3A = math.rsqrt %add3A_18 : vector<1x128xf32>
    %mul3A_19 = arith.mulf %get3A_16, %rsqrt3A : vector<1x128xf32>
    %sub3A_20 = vector.broadcast %mul3A_6 : vector<1x128xf32> to vector<1000x128xf32>
    %sub3A_21 = arith.subf %get3A_1, %sub3A_20 : vector<1000x128xf32>
    %mul3A_22 = vector.broadcast %mul3A_19 : vector<1x128xf32> to vector<1000x128xf32>
    %mul3A_23 = arith.mulf %sub3A_21, %mul3A_22 : vector<1000x128xf32>
    %get3A_24 = arith.constant 0 : index
    %get3A_25 = arith.constant 0 : index
    %get3A_26 = vector.load %arg5[%get3A_24, %get3A_25] : memref<1x128xf32, #tpu.memory_space<vmem>>, vector<1x128xf32>
    %add3A_27 = vector.broadcast %get3A_26 : vector<1x128xf32> to vector<1000x128xf32>
    %add3A_28 = arith.addf %mul3A_23, %add3A_27 : vector<1000x128xf32>
    %max3A = arith.constant 0.000000e+00 : f32
    %max3A_29 = vector.broadcast %max3A : f32 to vector<1000x128xf32>
    %max3A_30 = arith.maximumf %add3A_28, %max3A_29 : vector<1000x128xf32>
    %swap3A = arith.constant 0 : index
    %swap3A_31 = arith.constant 0 : index
    %swap3A_32 = vector.load %arg6[%swap3A, %swap3A_31] : memref<1000x128xf32, #tpu.memory_space<vmem>>, vector<1000x128xf32>
    tpu.vector_store %arg6[%swap3A, %swap3A_31], %max3A_30 {strides = array<i32>} : memref<1000x128xf32, #tpu.memory_space<vmem>>, vector<1000x128xf32>,
    return
  }
  func.func @transform_0(%arg0: i32) -> (i32, i32) {
    %c0_i32 = arith.constant 0 : i32
    %c0_i32_0 = arith.constant 0 : i32
    return %arg0, %c0_i32 : i32, i32
  }
  func.func @transform_1(%arg0: i32) -> (i32, i32) {
    %c0_i32 = arith.constant 0 : i32
    %c0_i32_0 = arith.constant 0 : i32
    %c0_i32_1 = arith.constant 0 : i32
    return %c0_i32, %c0_i32_0 : i32, i32
  }
  func.func @transform_2(%arg0: i32) -> (i32, i32) {
    %c0_i32 = arith.constant 0 : i32
    %c0_i32_0 = arith.constant 0 : i32
    %c0_i32_1 = arith.constant 0 : i32
    return %c0_i32, %c0_i32_0 : i32, i32
  }
  func.func @transform_3(%arg0: i32) -> (i32, i32) {
    %c0_i32 = arith.constant 0 : i32
    %c0_i32_0 = arith.constant 0 : i32
    %c0_i32_1 = arith.constant 0 : i32
    return %c0_i32, %c0_i32_0 : i32, i32
  }
  func.func @transform_4(%arg0: i32) -> (i32, i32) {
    %c0_i32 = arith.constant 0 : i32
    %c0_i32_0 = arith.constant 0 : i32
    %c0_i32_1 = arith.constant 0 : i32
    return %c0_i32, %c0_i32_0 : i32, i32
  }
  func.func @transform_5(%arg0: i32) -> (i32, i32) {
    %c0_i32 = arith.constant 0 : i32
    %c0_i32_0 = arith.constant 0 : i32
    return %arg0, %c0_i32 : i32, i32
  }
}

</mosaic_0001>

<sc_bundles>
// kernel: kernel.12.cloned.1.call-start
scs
__scs_entry_jumppad:
0x0: {  	(pc) =	sbr.rel $0x88, $3  }
0x1: {  	(tag) =	ssettag $0x0;
	lr =	simm.s32 $0x1  }
0x2: {  	[smem:$0x3F90] =	sst lr;
	_ =	strace $0xD0000000  }
0x3: {  	_ = 	snop  }
0x4: {  	_ = 	snop  }
0x5: {  	_ = 	snop  }
0x6: {  	_ = 	snop  }
0x7: {  	_ = 	snop  }
__scs_overlays_trampoline_lowered:
0x8: {  	[smem:$0x3F9F] =	sst s0  }
0x9: {  	[smem:$0x3FA0] =	sst s1  }
0xa: {  	[smem:$0x3FA1] =	sst s2  }
0xb: {  	[smem:$0x3FA2] =	sst s3  }
0xc: {  	[smem:$0x3FA3] =	sst s4  }
0xd: {  	[smem:$0x3FA4] =	sst s5  }
0xe: {  	[smem:$0x3FA5] =	sst s6  }
0xf: {  	[smem:$0x3FA6] =	sst s7  }
0x10: {  	[smem:$0x3FA7] =	sst s8  }
0x11: {  	[smem:$0x3FA8] =	sst s9;
	s0 =	simm.s32 @!p0 $0x0  }
0x12: {  	s1 =	sld [smem:$0x3F8E];
	s0 =	simm.s32 @p0 $0x1  }
0x13: {  	[smem:$0x3FA9] =	sst s0;
	s0 =	simm.s32 @!p1 $0x0  }
0x14: {  	s2 =	sld [smem:$0x3F8D];
	s0 =	simm.s32 @p1 $0x1  }
0x15: {  	[smem:$0x3FAA] =	sst s0;
	s0 =	simm.s32 @!p2 $0x0  }
0x16: {  	s3 =	sld [smem:$0x3FDB];
	s0 =	simm.s32 @p2 $0x1  }
0x17: {  	s4 =	simm.s32 $0x1BF5;
	[smem:$0x3FAC] =	sst s0  }
0x18: {  	s0 =	sld [smem:$0x3F8F];
	_ =	swait.ge [sflag:s4], $0x0  }
0x19: {  	s7 =	sld [smem:$0x3F90]  }
0x1a: {  	s8 =	sadd.s32 $0xFFFFE003, lr  }
0x1b: {  	s9 =	sadd.s32 $0xFFFFFEF7, lr;
	s5 =	simm.s32 $0xFFFFFFFF;
	p2 =	slt.u32 s8, $0xFFFFF086  }
0x1c: {  	p1 =	slt.u32 s9, $0xF7A;
	s5 =	simm.s32 @!p2 $0x0  }
0x1d: {  	s5 =	simm.s32 @p1 $0x1;
	p0 =	seq.s32 s7, s2  }
0x1e: {  	s7 =	smul.u32 @!p0 $0xF7A, s2;
	p2 =	seq.s32 @!p0 s5, $0x0  }
0x1f: {  	s9 =	smul.u32 $0xF7A, s1;
	s8 =	simm.s32 @!p0 $0x1BF5;
	p2 =	por !p2, p0  }
0x20: {  	[sflag:s8] =	ssyncset.s32 @!p0 $0xFFFFF086;
	s6 =	sadd.s32 @!p0 s3, s7;
	s7 =	simm.s32 @!p0 $0x108  }
0x21: {  	s3 =	sadd.s32 s3, s9;
	s6 =	sadd.s32 @!p0 $0x88, s6;
	s7 =	simm.s32 @p2 $0x1082  }
0x22: {  	[simem:s7], [sflag:s8] =	dma.local @!p0 [hbm:s6], $0xF7A  }
0x23: {  	s9 =	sor.u32 $0xD0000000, s2;
	s6 =	simm.s32 $0x108;
	_ =	swait.ge @!p0 [sflag:s8], $0x0  }
0x24: {  	s3 =	sadd.s32 $0x88, s3;
	s6 =	simm.s32 @!p1 $0x1082;
	[sflag:s4] =	ssyncset.s32 $0xFFFFF086  }
0x25: {  	[simem:s6], [sflag:s4] =	dma.local [hbm:s3], $0xF7A  }
0x26: {  	[smem:$0x3F90] =	sst s1;
	(tag) =	ssettag s2;
	_ =	strace s9  }
0x27: {  	s1 =	sld [smem:$0x3FA0]  }
0x28: {  	s2 =	sld [smem:$0x3FA1]  }
0x29: {  	s4 =	sld [smem:$0x3FA3]  }
0x2a: {  	p0 =	seq.s32 s5, $0x0;
	s5 =	sld [smem:$0x3FA4]  }
0x2b: {  	s6 =	sld [smem:$0x3FA5]  }
0x2c: {  	s7 =	sld [smem:$0x3FA6]  }
0x2d: {  	s3 =	simm.s32 $0x108;
	s8 =	sld [smem:$0x3FA7]  }
0x2e: {  	s3 =	simm.s32 @!p0 $0x1082;
	s9 =	sld [smem:$0x3FA8]  }
0x2f: {  	lr =	sadd.s32 s0, s3;
	s0 =	sld [smem:$0x3F9F]  }
0x30: {  	s3 =	sld [smem:$0x3FA2]  }
0x31: {  	[smem:$0x3FAB] =	sst s10  }
0x32: {  	s10 =	sld [smem:$0x3FA9];
	_ =	sdelay $0x3  }
0x33: {  	p0 =	seq.s32 s10, $0x1;
	s10 =	sld [smem:$0x3FAB];
	_ =	sdelay $0x3  }
0x34: {  	[smem:$0x3FAB] =	sst s10  }
0x35: {  	s10 =	sld [smem:$0x3FAA];
	_ =	sdelay $0x3  }
0x36: {  	p1 =	seq.s32 s10, $0x1;
	s10 =	sld [smem:$0x3FAB];
	_ =	sdelay $0x3  }
0x37: {  	[smem:$0x3FAB] =	sst s10  }
0x38: {  	s10 =	sld [smem:$0x3FAC]  }
0x39: {  	_ = 	snop;
	(pc) =	sbr.ind lr, $3  }
0x3a: {  	_ = 	snop  }
0x3b: {  	_ = 	snop  }
0x3c: {  	p2 =	seq.s32 s10, $0x1;
	s10 =	sld [smem:$0x3FAB]  }
0x3d: {  	_ =	shalt  }
0x3e: {  	_ =	shalt  }
0x3f: {  	_ =	shalt  }
0x40: {  	_ =	shalt  }
0x41: {  	_ =	shalt  }
0x42: {  	_ =	shalt  }
0x43: {  	_ =	shalt  }
0x44: {  	_ =	shalt  }
0x45: {  	_ =	shalt  }
0x46: {  	_ =	shalt  }
0x47: {  	_ =	shalt  }
0x48: {  	_ =	shalt  }
0x49: {  	_ =	shalt  }
0x4a: {  	_ =	shalt  }
0x4b: {  	_ =	shalt  }
0x4c: {  	_ =	shalt  }
0x4d: {  	_ =	shalt  }
0x4e: {  	_ =	shalt  }
0x4f: {  	_ =	shalt  }
0x50: {  	_ =	shalt  }
0x51: {  	_ =	shalt  }
0x52: {  	_ =	shalt  }
0x53: {  	_ =	shalt  }
0x54: {  	_ =	shalt  }
0x55: {  	_ =	shalt  }
0x56: {  	_ =	shalt  }
0x57: {  	_ =	shalt  }
0x58: {  	_ =	shalt  }
0x59: {  	_ =	shalt  }
0x5a: {  	_ =	shalt  }
0x5b: {  	_ =	shalt  }
0x5c: {  	_ =	shalt  }
0x5d: {  	_ =	shalt  }
0x5e: {  	_ =	shalt  }
0x5f: {  	_ =	shalt  }
0x60: {  	_ =	shalt  }
0x61: {  	_ =	shalt  }
0x62: {  	_ =	shalt  }
0x63: {  	_ =	shalt  }
0x64: {  	_ =	shalt  }
0x65: {  	_ =	shalt  }
0x66: {  	_ =	shalt  }
0x67: {  	_ =	shalt  }
0x68: {  	_ =	shalt  }
0x69: {  	_ =	shalt  }
0x6a: {  	_ =	shalt  }
0x6b: {  	_ =	shalt  }
0x6c: {  	_ =	shalt  }
0x6d: {  	_ =	shalt  }
0x6e: {  	_ =	shalt  }
0x6f: {  	_ =	shalt  }
0x70: {  	_ =	shalt  }
0x71: {  	_ =	shalt  }
0x72: {  	_ =	shalt  }
0x73: {  	_ =	shalt  }
0x74: {  	_ =	shalt  }
0x75: {  	_ =	shalt  }
0x76: {  	_ =	shalt  }
0x77: {  	_ =	shalt  }
0x78: {  	_ =	shalt  }
0x79: {  	_ =	shalt  }
0x7a: {  	_ =	shalt  }
0x7b: {  	_ =	shalt  }
0x7c: {  	_ =	shalt  }
0x7d: {  	_ =	shalt  }
0x7e: {  	_ =	shalt  }
0x7f: {  	_ =	shalt  }
0x80: {  	_ =	shalt  }
0x81: {  	_ =	shalt  }
0x82: {  	_ =	shalt  }
0x83: {  	_ =	shalt  }
0x84: {  	_ =	shalt  }
0x85: {  	_ =	shalt  }
0x86: {  	_ =	shalt  }
0x87: {  	_ =	shalt  }
.Lfunc_end0:
.L_simem_size_0:
called_computation_lowered:
.L_overlay_start_0:
0x88: {  	s2 =	sld [smem:$0x3FD9]  }
0x89: {  	s3 =	sld [smem:$0x3FFE];
	_ =	sdelay $0x1  }
0x8a: {  	s1 =	srdreg.scid  }
0x8b: {  	s0 =	sand.u32 $0x1, s1  }
0x8c: {  	s17 =	sshll.u32 s0, $0xA;
	s2 =	sadd.s32 s3, s2  }
0x8d: {  	s2 =	sadd.s32 s2, s17  }
0x8e: {  	[smem:$0x3FB7] =	sst s2  }
0x8f: {  	_ = 	snop  }
0x90: {  	s2 =	sld [smem:$0x3FC9]  }
0x91: {  	s18 =	sld [smem:$0x3FD0];
	(tm) =	ssettm $0x1  }
0x92: {  	s4 =	sld [smem:$0x3FFB];
	_ =	sdelay $0x3  }
0x93: {  	_ =	strace s4  }
0x94: {  	s4 =	sld [smem:$0x3FFC];
	_ =	sdelay $0x3  }
0x95: {  	_ =	strace s4  }
0x96: {  	s4 =	sld [smem:$0x3FFD];
	_ =	sdelay $0x3  }
0x97: {  	_ =	strace s4  }
0x98: {  	_ =	strace $0x8FFFFFFF  }
0x99: {  	s19 =	sld [smem:$0x3FDB];
	_ =	sdelay $0x1  }
0x9a: {  	s5 =	simm.s32 $_scs_section_size  }
0x9b: {  	s6 =	simm.s32 $_size__tile_overlayer_lowered;
	s7 =	simm.s32 $_tile_overlayer_lowered  }
0x9c: {  	s22 =	simm.s32 $0x1BFF;
	s21 =	sshll.u32 s7, $0x1;
	s4 =	sadd.s32 s5, s19  }
0x9d: {  	s8 =	simm.s32 $0x0;
	s20 =	sshll.u32 s6, $0x1;
	s6 =	sadd.s32 s21, s4  }
0x9e: {  	[timem:s8], [sflag:s22] =	dma.local [hbm:s6], s20  }
0x9f: {  	_ =	swait.ge [sflag:s22], s20  }
0xa0: {  	s5 =	ssub.s32 $0x0, s20;
	[sflag:s22] =	ssyncset.done $0x0  }
0xa1: {  	[sflag:s22] =	ssyncadd.s32 s5;
	_ =	sdelay $0x1  }
0xa2: {  	s23 =	simm.s32 $0x1B8B  }
0xa3: {  	_ =	swait.ge [sflag:s23], $0x1  }
0xa4: {  	[sflag:s23] =	ssyncset.done $0x0  }
0xa5: {  	s25 =	simm.s32 $0x1B8E;
	s24 =	sld [smem:$0x3FFE];
	[sflag:s23] =	ssyncadd.s32 $0xFFFFFFFF  }
0xa6: {  	s26 =	simm.s32 $execute0_lowered;
	[smem:$0x3FD2] =	sst s25  }
0xa7: {  	s6 =	sshll.u32 s26, $0x1;
	_ =	strace $0x80000046;
	[dreg:$0x1] =	wrdreg $0xFFFFFFFF  }
0xa8: {  	s28 =	simm.s32 $_size_execute0_lowered;
	s4 =	sadd.s32 s4, s6;
	[dreg:$0x0] =	wrdreg $0x0  }
0xa9: {  	s6 =	sshll.u32 s28, $0x1;
	[dreg:$0x2] =	wrdreg s4  }
0xaa: {  	[dreg:$0x3] =	wrdreg s6  }
0xab: {  	[dreg:$0x4] =	wrdreg $0xC0  }
0xac: {  	_ =	task [dreg:s8], $0x5FFFF  }
0xad: {  	[dreg:$0x1] =	wrdreg $0xFFFFFFFF  }
0xae: {  	[dreg:$0x0] =	wrdreg $0x60  }
0xaf: {  	[dreg:$0x2] =	wrdreg s2  }
0xb0: {  	[dreg:$0x3] =	wrdreg s24  }
0xb1: {  	[dreg:$0x4] =	wrdreg s18  }
0xb2: {  	[dreg:$0x5] =	wrdreg $0x41000  }
0xb3: {  	[dreg:$0x6] =	wrdreg $0x9  }
0xb4: {  	_ =	task.clear_ibuf [dreg:s8], $0x7FFFF;
	_ =	strace $0x90000046  }
0xb5: {  	s29 =	simm.s32 $0x9;
	_ =	strace $0x80000048  }
0xb6: {  	_ =	swait.ge [sflag:s29], $0x1  }
0xb7: {  	[sflag:s29] =	ssyncadd.s32 $0xFFFFFFFF  }
0xb8: {  	_ =	strace $0x90000048  }
0xb9: {  	_ =	sfence  }
0xba: {  	s30 =	sld [smem:$0x0];
	_ =	sdelay $0x2  }
0xbb: {  	s31 =	sshll.u32 s1, $0xD;
	s1 =	sshrl.u32 s1, $0x2  }
0xbc: {  	s3 =	sand.u32 $0x4000, s31;
	s1 =	sadd.s32 s1, s30  }
0xbd: {  	s0 =	sor.u32 s3, s0;
	s1 =	sshll.u32 s1, $0x11  }
0xbe: {  	s0 =	sor.u32 s1, s0  }
0xbf: {  	s0 =	sadd.s32 $0x8F2B, s0  }
0xc0: {  	[sflag:s0] =	ssyncadd.remote.s32 $0x1  }
0xc1: {  	_ =	sfence.sel $0xFFFF  }
0xc2: {  	[dreg:$0x0] =	wrdreg $0xFFFFFFFF;
	(pc) =	sbr.abs _section_cstart, $3  }
0xc3: {  	[dreg:$0x1] =	wrdreg $0xFFFFFFFF  }
0xc4: {  	_ =	task.clear_ibuf [dreg:s8], $0x2FFFF;
	_ =	strace $0x9FFFFFFF  }
0xc5: {  	(tm) =	ssettm $0x7FFFFFFF  }
tec
execute0_lowered:
.L_overlay_start_1:
0x0: {  	(tag) =	ssettag $0x1  }
0x1: {  	s1 =	rddreg [dreg:$0x0]  }
0x2: {  	s6 =	rddreg [dreg:$0x1]  }
0x3: {  	s7 =	rddreg [dreg:$0x2]  }
0x4: {  	s3 =	rddreg [dreg:$0x3]  }
0x5: {  	s0 =	rddreg [dreg:$0x4];
	s4 =	simm.s32 $0x0;
	s2 =	stileid.u32  }
0x6: {  	s5 =	srdreg.scid;
	s16 =	simm.s32 $0x18100;
	s8 =	smul.u32 $0x9E0, s2  }
0x7: {  	s19 =	simm.s32 $0x0;
	[smem:$0x7FF] =	sst s4;
	s12 =	smul.u32 $0x50000, s2  }
0x8: {  	s9 =	sand.u32 $0x1, s5;
	s5 =	sadd.s32 $0x17E00, s6;
	s18 =	smul.u32 $0x2800, s2  }
0x9: {  	s13 =	sshrl.u32 s2, $0x2;
	s14 =	sshll.u32 s2, $0x8;
	s10 =	smul.u32 $0x28000, s9  }
0xa: {  	s29 =	sshll.u32 s2, $0x6;
	_ =	strace $0x80000047;
	s13 =	smul.u32 $0x14000, s13  }
0xb: {  	s11 =	ssub.s32 $0x2, s9;
	s15 =	sshll.u32 s9, $0x7;
	s9 =	smul.u32 $0x4F0, s9  }
0xc: {  	s8 =	sadd.s32 s8, s6;
	s26 =	sshrl.u32 s11, $0x1;
	s12 =	sshrl.u32 s12, $0x2  }
0xd: {  	s14 =	sor.u32 s15, s14;
	s15 =	simm.s32 $0x1;
	s10 =	sadd.s32 s10, s6  }
0xe: {  	s11 =	ssub.s32 s11, s26;
	s12 =	sadd.s32 s12, s3;
	s28 =	sand.u32 $0x380, s14  }
0xf: {  	s6 =	sor.u32 $0x1C02, s29;
	s31 =	sadd.s32 s9, s8;
	s14 =	simm.s32 $0x100  }
0x10: {  	s13 =	sor.u32 s13, s28;
	s17 =	sadd.s32 $0x1A600, s10;
	s8 =	smax.u32 s11, $0x1  }
0x11: {  	s9 =	sadd.s32 $0x4200, s31;
	s10 =	sadd.s32 $0xE000, s31;
	s11 =	sshrl.u32 s12, $0x3  }
0x12: {  	s12 =	simm.s32 $0x2;
	s30 =	sshrl.u32 s13, $0x3;
	s13 =	simm.s32 $0x80  }
0x13: {  	v0 =	vimm.f32 $0.0e+00;
	v1 =	vimm.f32 $1.000000000e+00;
	s17 =	sadd.s32 s18, s17;
	s18 =	simm.s32 $0x400;
	s7 =	sadd.s32 s7, s30  }
.LBB2_1:
0x14: {  	[spmem:s11], [sflag:s6] =	dma.local [hbm:s5], $0x2800  }
0x15: {  	_ =	swait.ge [sflag:s12], $0x2800  }
0x16: {  	[sflag:s12] =	ssyncset.done $0x0  }
0x17: {  	s20 =	simm.s32 $0x40;
	s21 =	simm.s32 $0x0;
	[sflag:s12] =	ssyncadd.s32 $0xFFFFD800  }
.LBB2_2:
0x18: {  	p0 =	sne.s32 s20, $0x9FC0;
	[tilespmem:s21+$0x18100] =	vst v0;
	s21 =	smov.u32 s20;
	s20 =	sadd.s32 $0x40, s20  }
.Ltmp0:
0x19: {  	(pc) =	sbr.rel @p0 .LBB2_2-.Ltmp0, $2  }
0x1a: {  	_ =	sdelay $0x2  }
0x1b: {  	s21 =	sshra.s32 s21, $0x2  }
0x1c: {  	[tilespmem:s21+$0x18100] =	vst v0  }
0x1d: {  	s20 =	simm.s32 $0x0;
	[bflag:$0x0] =	sbarrier.arrive $0xFFFF  }
.LBB2_4:
0x1e: {  	s21 =	sadd.s32 s20, s10  }
0x1f: {  	[tilespmem:s4], [sflag:$0x2] =	stream.linear.gather [hbm4b:s21+s4], $0x80, $0x38;
	[tilespmem:$0x1A900] =	vst v63  }
0x20: {  	_ =	swait.ge [sflag:s12], $0x80  }
0x21: {  	[sflag:s12] =	ssyncset.done $0x0  }
0x22: {  	s31 =	sadd.s32 s20, s9;
	[sflag:s12] =	ssyncadd.s32 $0xFFFFFF80  }
0x23: {  	[tilespmem:s13], [sflag:$0x2] =	stream.linear.gather [hbm4b:s31+s4], $0x80, $0x38;
	[tilespmem:$0x1A900] =	vst v63  }
0x24: {  	_ =	swait.ge [sflag:s12], $0x80  }
0x25: {  	[sflag:s12] =	ssyncset.done $0x0  }
0x26: {  	[sflag:s12] =	ssyncadd.s32 $0xFFFFFF80  }
0x27: {  	[tilespmem:s14], [sflag:$0x1] =	stream.indirect.gather [hbm4b:s1+s13], $0x80, s4, s13, $0xb8;
	[tilespmem:$0x1A900] =	vst v63  }
0x28: {  	_ =	swait.ge [sflag:s15], $0x4000  }
0x29: {  	[sflag:s15] =	ssyncset.done $0x0  }
0x2a: {  	[sflag:s15] =	ssyncadd.s32 $0xFFFFC000  }
0x2b: {  	[spmem:s3] =	stream.indirect.scatter.add.f32 [tilespmem:s14], [sflag:$0x2], $0x80, s13, s13, $0xb8;
	[tilespmem:$0x1A900] =	vst v63  }
0x2c: {  	_ =	swait.ge [sflag:s12], $0x4000  }
0x2d: {  	[sflag:s12] =	ssyncset.done $0x0  }
0x2e: {  	[sflag:s12] =	ssyncadd.s32 $0xFFFFC000  }
0x2f: {  	v2 =	vld [tilespmem:$0x80];
	_ =	sdelay $0x7  }
0x30: {  	[tilespmem:v2+s16+$0x0] =	vst.idx.add.f32.msk $0xffff, v1  }
0x31: {  	v2 =	vld [tilespmem:$0x90];
	_ =	sdelay $0x7  }
0x32: {  	[tilespmem:v2+s16+$0x0] =	vst.idx.add.f32.msk $0xffff, v1  }
0x33: {  	v2 =	vld [tilespmem:$0xA0];
	_ =	sdelay $0x7  }
0x34: {  	[tilespmem:v2+s16+$0x0] =	vst.idx.add.f32.msk $0xffff, v1  }
0x35: {  	v2 =	vld [tilespmem:$0xB0];
	_ =	sdelay $0x7  }
0x36: {  	[tilespmem:v2+s16+$0x0] =	vst.idx.add.f32.msk $0xffff, v1  }
0x37: {  	v2 =	vld [tilespmem:$0xC0];
	_ =	sdelay $0x7  }
0x38: {  	[tilespmem:v2+s16+$0x0] =	vst.idx.add.f32.msk $0xffff, v1  }
0x39: {  	v2 =	vld [tilespmem:$0xD0];
	_ =	sdelay $0x7  }
0x3a: {  	[tilespmem:v2+s16+$0x0] =	vst.idx.add.f32.msk $0xffff, v1  }
0x3b: {  	v2 =	vld [tilespmem:$0xE0];
	_ =	sdelay $0x7  }
0x3c: {  	[tilespmem:v2+s16+$0x0] =	vst.idx.add.f32.msk $0xffff, v1  }
0x3d: {  	v2 =	vld [tilespmem:$0xF0];
	_ =	sdelay $0x2  }
0x3e: {  	p0 =	sne.s32 s20, $0x4E0  }
.Ltmp1:
0x3f: {  	_ = 	snop;
	(pc) =	sbr.rel @p0 .LBB2_4-.Ltmp1, $2  }
0x40: {  	_ =	sdelay $0x2  }
0x41: {  	s20 =	sadd.s32 $0x10, s20;
	[tilespmem:v2+s16+$0x0] =	vst.idx.add.f32.msk $0xffff, v1  }
0x42: {  	[bflag:$0x0] =	sbarrier.arrive $0xFFFF  }
0x43: {  	[hbm:s17], [sflag:s6] =	dma.local [spmem:s11], $0x2800  }
0x44: {  	s19 =	sadd.s32 $0x1, s19;
	_ =	swait.ge [sflag:s12], $0x2800  }
0x45: {  	p0 =	sne.s32 s19, s8;
	[sflag:s12] =	ssyncset.done $0x0  }
.Ltmp2:
0x46: {  	[sflag:s12] =	ssyncadd.s32 $0xFFFFD800;
	(pc) =	sbr.rel @p0 .LBB2_1-.Ltmp2, $4  }
0x47: {  	[hbm4b:s7+s13] =	stream.strided.scatter [tilespmem:s16], [sflag:$0x2], $0x2800, s18, s13, $0x38;
	[tilespmem:$0x1A900] =	vst v63  }
0x48: {  	_ =	swait.ge [sflag:s12], $0x2800  }
0x49: {  	[sflag:s12] =	ssyncset.done $0x0  }
0x4a: {  	[sflag:s12] =	ssyncadd.s32 $0xFFFFD800  }
0x4b: {  	_ =	sfence.sel $0x180000  }
0x4c: {  	[bflag:$0x0] =	sbarrier.arrive $0xFFFF  }
0x4d: {  	p0 =	sne.s32 s2, $0x0;
	_ =	strace $0x90000047  }
0x4e: {  	s0 =	sadd.s32 @!p0 $0x100000, s0;
	[bflag:$0x2] =	sbarrier.arrive $0xFFFF  }
0x4f: {  	[sflag:s0] =	ssyncadd.tile.s32 @!p0 $0x1;
	_ =	shalt  }
.Lfunc_end2:
_tile_overlayer_lowered:
.L_overlay_start_2:
0x50: {  	(tag) =	ssettag $0x2  }
0x51: {  	s0 =	rddreg [dreg:$0x0];
	s2 =	stileid.u32  }
0x52: {  	s1 =	rddreg [dreg:$0x1];
	p0 =	sne.s32 s2, $0x0  }
0x53: {  	s3 =	rddreg [dreg:$0x2];
	[bflag:$0x3] =	sbarrier.arrive $0xFFFF;
	s2 =	simm.s32 @!p0 $0x1C02  }
0x54: {  	[timem:s3], [sflag:s2] =	dma.local @!p0 [hbm:s0], s1  }
0x55: {  	s0 =	simm.s32 @!p0 $0x2  }
0x56: {  	_ =	swait.ge @!p0 [sflag:s0], s1  }
0x57: {  	s1 =	ssub.s32 @!p0 $0x0, s1;
	[sflag:s0] =	ssyncset.done @!p0 $0x0  }
0x58: {  	[sflag:s0] =	ssyncadd.s32 @!p0 s1  }
0x59: {  	[bflag:$0x3] =	sbarrier.arrive $0xFFFF  }
0x5a: {  	_ =	shalt  }

// kernel: kernel.15.cloned.1.call-start
scs
__scs_entry_jumppad:
0x0: {  	(pc) =	sbr.rel $0x88, $3  }
0x1: {  	(tag) =	ssettag $0x0;
	lr =	simm.s32 $0x1  }
0x2: {  	[smem:$0x3F90] =	sst lr;
	_ =	strace $0xD0000000  }
0x3: {  	_ = 	snop  }
0x4: {  	_ = 	snop  }
0x5: {  	_ = 	snop  }
0x6: {  	_ = 	snop  }
0x7: {  	_ = 	snop  }
__scs_overlays_trampoline_lowered:
0x8: {  	[smem:$0x3F9F] =	sst s0  }
0x9: {  	[smem:$0x3FA0] =	sst s1  }
0xa: {  	[smem:$0x3FA1] =	sst s2  }
0xb: {  	[smem:$0x3FA2] =	sst s3  }
0xc: {  	[smem:$0x3FA3] =	sst s4  }
0xd: {  	[smem:$0x3FA4] =	sst s5  }
0xe: {  	[smem:$0x3FA5] =	sst s6  }
0xf: {  	[smem:$0x3FA6] =	sst s7  }
0x10: {  	[smem:$0x3FA7] =	sst s8  }
0x11: {  	[smem:$0x3FA8] =	sst s9;
	s0 =	simm.s32 @!p0 $0x0  }
0x12: {  	s1 =	sld [smem:$0x3F8E];
	s0 =	simm.s32 @p0 $0x1  }
0x13: {  	[smem:$0x3FA9] =	sst s0;
	s0 =	simm.s32 @!p1 $0x0  }
0x14: {  	s2 =	sld [smem:$0x3F8D];
	s0 =	simm.s32 @p1 $0x1  }
0x15: {  	[smem:$0x3FAA] =	sst s0;
	s0 =	simm.s32 @!p2 $0x0  }
0x16: {  	s3 =	sld [smem:$0x3FDB];
	s0 =	simm.s32 @p2 $0x1  }
0x17: {  	s4 =	simm.s32 $0x1BF5;
	[smem:$0x3FAC] =	sst s0  }
0x18: {  	s0 =	sld [smem:$0x3F8F];
	_ =	swait.ge [sflag:s4], $0x0  }
0x19: {  	s7 =	sld [smem:$0x3F90]  }
0x1a: {  	s8 =	sadd.s32 $0xFFFFE003, lr  }
0x1b: {  	s9 =	sadd.s32 $0xFFFFFEF7, lr;
	s5 =	simm.s32 $0xFFFFFFFF;
	p2 =	slt.u32 s8, $0xFFFFF086  }
0x1c: {  	p1 =	slt.u32 s9, $0xF7A;
	s5 =	simm.s32 @!p2 $0x0  }
0x1d: {  	s5 =	simm.s32 @p1 $0x1;
	p0 =	seq.s32 s7, s2  }
0x1e: {  	s7 =	smul.u32 @!p0 $0xF7A, s2;
	p2 =	seq.s32 @!p0 s5, $0x0  }
0x1f: {  	s9 =	smul.u32 $0xF7A, s1;
	s8 =	simm.s32 @!p0 $0x1BF5;
	p2 =	por !p2, p0  }
0x20: {  	[sflag:s8] =	ssyncset.s32 @!p0 $0xFFFFF086;
	s6 =	sadd.s32 @!p0 s3, s7;
	s7 =	simm.s32 @!p0 $0x108  }
0x21: {  	s3 =	sadd.s32 s3, s9;
	s6 =	sadd.s32 @!p0 $0x88, s6;
	s7 =	simm.s32 @p2 $0x1082  }
0x22: {  	[simem:s7], [sflag:s8] =	dma.local @!p0 [hbm:s6], $0xF7A  }
0x23: {  	s9 =	sor.u32 $0xD0000000, s2;
	s6 =	simm.s32 $0x108;
	_ =	swait.ge @!p0 [sflag:s8], $0x0  }
0x24: {  	s3 =	sadd.s32 $0x88, s3;
	s6 =	simm.s32 @!p1 $0x1082;
	[sflag:s4] =	ssyncset.s32 $0xFFFFF086  }
0x25: {  	[simem:s6], [sflag:s4] =	dma.local [hbm:s3], $0xF7A  }
0x26: {  	[smem:$0x3F90] =	sst s1;
	(tag) =	ssettag s2;
	_ =	strace s9  }
0x27: {  	s1 =	sld [smem:$0x3FA0]  }
0x28: {  	s2 =	sld [smem:$0x3FA1]  }
0x29: {  	s4 =	sld [smem:$0x3FA3]  }
0x2a: {  	p0 =	seq.s32 s5, $0x0;
	s5 =	sld [smem:$0x3FA4]  }
0x2b: {  	s6 =	sld [smem:$0x3FA5]  }
0x2c: {  	s7 =	sld [smem:$0x3FA6]  }
0x2d: {  	s3 =	simm.s32 $0x108;
	s8 =	sld [smem:$0x3FA7]  }
0x2e: {  	s3 =	simm.s32 @!p0 $0x1082;
	s9 =	sld [smem:$0x3FA8]  }
0x2f: {  	lr =	sadd.s32 s0, s3;
	s0 =	sld [smem:$0x3F9F]  }
0x30: {  	s3 =	sld [smem:$0x3FA2]  }
0x31: {  	[smem:$0x3FAB] =	sst s10  }
0x32: {  	s10 =	sld [smem:$0x3FA9];
	_ =	sdelay $0x3  }
0x33: {  	p0 =	seq.s32 s10, $0x1;
	s10 =	sld [smem:$0x3FAB];
	_ =	sdelay $0x3  }
0x34: {  	[smem:$0x3FAB] =	sst s10  }
0x35: {  	s10 =	sld [smem:$0x3FAA];
	_ =	sdelay $0x3  }
0x36: {  	p1 =	seq.s32 s10, $0x1;
	s10 =	sld [smem:$0x3FAB];
	_ =	sdelay $0x3  }
0x37: {  	[smem:$0x3FAB] =	sst s10  }
0x38: {  	s10 =	sld [smem:$0x3FAC]  }
0x39: {  	_ = 	snop;
	(pc) =	sbr.ind lr, $3  }
0x3a: {  	_ = 	snop  }
0x3b: {  	_ = 	snop  }
0x3c: {  	p2 =	seq.s32 s10, $0x1;
	s10 =	sld [smem:$0x3FAB]  }
0x3d: {  	_ =	shalt  }
0x3e: {  	_ =	shalt  }
0x3f: {  	_ =	shalt  }
0x40: {  	_ =	shalt  }
0x41: {  	_ =	shalt  }
0x42: {  	_ =	shalt  }
0x43: {  	_ =	shalt  }
0x44: {  	_ =	shalt  }
0x45: {  	_ =	shalt  }
0x46: {  	_ =	shalt  }
0x47: {  	_ =	shalt  }
0x48: {  	_ =	shalt  }
0x49: {  	_ =	shalt  }
0x4a: {  	_ =	shalt  }
0x4b: {  	_ =	shalt  }
0x4c: {  	_ =	shalt  }
0x4d: {  	_ =	shalt  }
0x4e: {  	_ =	shalt  }
0x4f: {  	_ =	shalt  }
0x50: {  	_ =	shalt  }
0x51: {  	_ =	shalt  }
0x52: {  	_ =	shalt  }
0x53: {  	_ =	shalt  }
0x54: {  	_ =	shalt  }
0x55: {  	_ =	shalt  }
0x56: {  	_ =	shalt  }
0x57: {  	_ =	shalt  }
0x58: {  	_ =	shalt  }
0x59: {  	_ =	shalt  }
0x5a: {  	_ =	shalt  }
0x5b: {  	_ =	shalt  }
0x5c: {  	_ =	shalt  }
0x5d: {  	_ =	shalt  }
0x5e: {  	_ =	shalt  }
0x5f: {  	_ =	shalt  }
0x60: {  	_ =	shalt  }
0x61: {  	_ =	shalt  }
0x62: {  	_ =	shalt  }
0x63: {  	_ =	shalt  }
0x64: {  	_ =	shalt  }
0x65: {  	_ =	shalt  }
0x66: {  	_ =	shalt  }
0x67: {  	_ =	shalt  }
0x68: {  	_ =	shalt  }
0x69: {  	_ =	shalt  }
0x6a: {  	_ =	shalt  }
0x6b: {  	_ =	shalt  }
0x6c: {  	_ =	shalt  }
0x6d: {  	_ =	shalt  }
0x6e: {  	_ =	shalt  }
0x6f: {  	_ =	shalt  }
0x70: {  	_ =	shalt  }
0x71: {  	_ =	shalt  }
0x72: {  	_ =	shalt  }
0x73: {  	_ =	shalt  }
0x74: {  	_ =	shalt  }
0x75: {  	_ =	shalt  }
0x76: {  	_ =	shalt  }
0x77: {  	_ =	shalt  }
0x78: {  	_ =	shalt  }
0x79: {  	_ =	shalt  }
0x7a: {  	_ =	shalt  }
0x7b: {  	_ =	shalt  }
0x7c: {  	_ =	shalt  }
0x7d: {  	_ =	shalt  }
0x7e: {  	_ =	shalt  }
0x7f: {  	_ =	shalt  }
0x80: {  	_ =	shalt  }
0x81: {  	_ =	shalt  }
0x82: {  	_ =	shalt  }
0x83: {  	_ =	shalt  }
0x84: {  	_ =	shalt  }
0x85: {  	_ =	shalt  }
0x86: {  	_ =	shalt  }
0x87: {  	_ =	shalt  }
.Lfunc_end0:
.L_simem_size_0:
called_computation.1_lowered:
.L_overlay_start_0:
0x88: {  	s2 =	sld [smem:$0x3FD9]  }
0x89: {  	s3 =	sld [smem:$0x3FFE];
	_ =	sdelay $0x1  }
0x8a: {  	s1 =	srdreg.scid  }
0x8b: {  	s0 =	sand.u32 $0x1, s1  }
0x8c: {  	s17 =	sshll.u32 s0, $0xA;
	s2 =	sadd.s32 s3, s2  }
0x8d: {  	s2 =	sadd.s32 s2, s17  }
0x8e: {  	[smem:$0x3FB7] =	sst s2  }
0x8f: {  	_ = 	snop  }
0x90: {  	s2 =	sld [smem:$0x3FD0];
	(tm) =	ssettm $0x1  }
0x91: {  	s18 =	sld [smem:$0x3FFB];
	_ =	sdelay $0x3  }
0x92: {  	_ =	strace s18  }
0x93: {  	s3 =	sld [smem:$0x3FFC];
	_ =	sdelay $0x3  }
0x94: {  	_ =	strace s3  }
0x95: {  	s3 =	sld [smem:$0x3FFD];
	_ =	sdelay $0x3  }
0x96: {  	_ =	strace s3  }
0x97: {  	_ =	strace $0x8FFFFFFF  }
0x98: {  	s19 =	sld [smem:$0x3FDB];
	_ =	sdelay $0x1  }
0x99: {  	s4 =	simm.s32 $_scs_section_size  }
0x9a: {  	s5 =	simm.s32 $_size__tile_overlayer_lowered;
	s6 =	simm.s32 $_tile_overlayer_lowered  }
0x9b: {  	s22 =	simm.s32 $0x1BFF;
	s21 =	sshll.u32 s6, $0x1;
	s3 =	sadd.s32 s4, s19  }
0x9c: {  	s7 =	simm.s32 $0x0;
	s20 =	sshll.u32 s5, $0x1;
	s5 =	sadd.s32 s21, s3  }
0x9d: {  	[timem:s7], [sflag:s22] =	dma.local [hbm:s5], s20  }
0x9e: {  	_ =	swait.ge [sflag:s22], s20  }
0x9f: {  	s4 =	ssub.s32 $0x0, s20;
	[sflag:s22] =	ssyncset.done $0x0  }
0xa0: {  	[sflag:s22] =	ssyncadd.s32 s4;
	_ =	sdelay $0x1  }
0xa1: {  	s23 =	simm.s32 $0x1B8B  }
0xa2: {  	_ =	swait.ge [sflag:s23], $0x1  }
0xa3: {  	[sflag:s23] =	ssyncset.done $0x0  }
0xa4: {  	s25 =	simm.s32 $0x1B8E;
	s24 =	sld [smem:$0x3FFE];
	[sflag:s23] =	ssyncadd.s32 $0xFFFFFFFF  }
0xa5: {  	s26 =	simm.s32 $execute0_lowered;
	[smem:$0x3FD2] =	sst s25  }
0xa6: {  	s5 =	sshll.u32 s26, $0x1;
	_ =	strace $0x80000049;
	[dreg:$0x1] =	wrdreg $0xFFFFFFFF  }
0xa7: {  	s28 =	simm.s32 $_size_execute0_lowered;
	s3 =	sadd.s32 s3, s5;
	[dreg:$0x0] =	wrdreg $0x0  }
0xa8: {  	s5 =	sshll.u32 s28, $0x1;
	[dreg:$0x2] =	wrdreg s3  }
0xa9: {  	[dreg:$0x3] =	wrdreg s5  }
0xaa: {  	[dreg:$0x4] =	wrdreg $0xC0  }
0xab: {  	_ =	task [dreg:s7], $0x5FFFF  }
0xac: {  	[dreg:$0x1] =	wrdreg $0xFFFFFFFF  }
0xad: {  	[dreg:$0x0] =	wrdreg $0x60  }
0xae: {  	[dreg:$0x2] =	wrdreg s2  }
0xaf: {  	[dreg:$0x3] =	wrdreg s24  }
0xb0: {  	[dreg:$0x4] =	wrdreg $0x41000  }
0xb1: {  	[dreg:$0x5] =	wrdreg $0x9  }
0xb2: {  	_ =	task.clear_ibuf [dreg:s7], $0x6FFFF;
	_ =	strace $0x90000049  }
0xb3: {  	s29 =	simm.s32 $0x9;
	_ =	strace $0x8000004B  }
0xb4: {  	_ =	swait.ge [sflag:s29], $0x1  }
0xb5: {  	[sflag:s29] =	ssyncadd.s32 $0xFFFFFFFF  }
0xb6: {  	_ =	strace $0x9000004B  }
0xb7: {  	_ =	sfence  }
0xb8: {  	s30 =	sld [smem:$0x0];
	_ =	sdelay $0x2  }
0xb9: {  	s31 =	sshll.u32 s1, $0xD;
	s1 =	sshrl.u32 s1, $0x2  }
0xba: {  	s3 =	sand.u32 $0x4000, s31;
	s1 =	sadd.s32 s1, s30  }
0xbb: {  	s0 =	sor.u32 s3, s0;
	s1 =	sshll.u32 s1, $0x11  }
0xbc: {  	s0 =	sor.u32 s1, s0  }
0xbd: {  	s0 =	sadd.s32 $0x8F2B, s0  }
0xbe: {  	[sflag:s0] =	ssyncadd.remote.s32 $0x1  }
0xbf: {  	_ =	sfence.sel $0xFFFF  }
0xc0: {  	[dreg:$0x0] =	wrdreg $0xFFFFFFFF;
	(pc) =	sbr.abs _section_cstart, $3  }
0xc1: {  	[dreg:$0x1] =	wrdreg $0xFFFFFFFF  }
0xc2: {  	_ =	task.clear_ibuf [dreg:s7], $0x2FFFF;
	_ =	strace $0x9FFFFFFF  }
0xc3: {  	(tm) =	ssettm $0x7FFFFFFF  }
tec
execute0_lowered:
.L_overlay_start_1:
0x0: {  	(tag) =	ssettag $0x1  }
0x1: {  	s1 =	rddreg [dreg:$0x0]  }
0x2: {  	s6 =	rddreg [dreg:$0x1]  }
0x3: {  	s3 =	rddreg [dreg:$0x2]  }
0x4: {  	s0 =	rddreg [dreg:$0x3]  }
0x5: {  	s4 =	simm.s32 $0x0;
	s2 =	stileid.u32;
	s5 =	srdreg.scid  }
0x6: {  	s13 =	simm.s32 $0x100;
	s14 =	simm.s32 $0x1;
	s7 =	smul.u32 $0x9E0, s2  }
0x7: {  	[smem:$0x7FF] =	sst s4;
	s8 =	sand.u32 $0x1, s5;
	s12 =	smul.u32 $0x50000, s2  }
0x8: {  	s5 =	sadd.s32 $0x17E00, s6;
	s30 =	sshll.u32 s2, $0x6;
	s16 =	smul.u32 $0x2800, s2  }
0x9: {  	_ =	strace $0x8000004A;
	s9 =	smul.u32 $0x28000, s8;
	s10 =	ssub.s32 $0x2, s8  }
0xa: {  	s8 =	smul.u32 $0x4F0, s8;
	s11 =	sadd.s32 s7, s6;
	s28 =	sshrl.u32 s10, $0x1  }
0xb: {  	s29 =	sshrl.u32 s12, $0x2;
	s9 =	sadd.s32 s9, s6;
	s7 =	ssub.s32 s10, s28  }
0xc: {  	s12 =	sadd.s32 s29, s3;
	s6 =	sor.u32 $0x1C02, s30;
	s31 =	sadd.s32 s8, s11  }
0xd: {  	s11 =	simm.s32 $0x2;
	s15 =	sadd.s32 $0x8FA00, s9;
	s7 =	smax.u32 s7, $0x1  }
0xe: {  	s8 =	sadd.s32 $0x4200, s31;
	s9 =	sadd.s32 $0xE000, s31;
	s10 =	sshrl.u32 s12, $0x3  }
0xf: {  	s12 =	simm.s32 $0x80;
	s15 =	sadd.s32 s16, s15;
	s16 =	simm.s32 $0x0  }
.LBB2_1:
0x10: {  	[spmem:s10], [sflag:s6] =	dma.local [hbm:s5], $0x2800  }
0x11: {  	_ =	swait.ge [sflag:s11], $0x2800  }
0x12: {  	[sflag:s11] =	ssyncset.done $0x0  }
0x13: {  	[sflag:s11] =	ssyncadd.s32 $0xFFFFD800  }
0x14: {  	s17 =	sadd.s32 $0x0, s9;
	[bflag:$0x0] =	sbarrier.arrive $0xFFFF  }
0x15: {  	[tilespmem:s4], [sflag:$0x2] =	stream.linear.gather [hbm4b:s17+s4], $0x80, $0x38;
	[tilespmem:$0x18100] =	vst v63  }
0x16: {  	_ =	swait.ge [sflag:s11], $0x80  }
0x17: {  	[sflag:s11] =	ssyncset.done $0x0  }
0x18: {  	s31 =	sadd.s32 $0x0, s8;
	[sflag:s11] =	ssyncadd.s32 $0xFFFFFF80  }
0x19: {  	[tilespmem:s12], [sflag:$0x2] =	stream.linear.gather [hbm4b:s31+s4], $0x80, $0x38;
	[tilespmem:$0x18100] =	vst v63  }
0x1a: {  	_ =	swait.ge [sflag:s11], $0x80  }
0x1b: {  	[sflag:s11] =	ssyncset.done $0x0  }
0x1c: {  	[sflag:s11] =	ssyncadd.s32 $0xFFFFFF80  }
0x1d: {  	[tilespmem:s13], [sflag:$0x1] =	stream.indirect.gather [hbm4b:s1+s12], $0x80, s4, s12, $0xb8;
	[tilespmem:$0x18100] =	vst v63  }
0x1e: {  	_ =	swait.ge [sflag:s14], $0x4000  }
0x1f: {  	[sflag:s14] =	ssyncset.done $0x0  }
0x20: {  	[sflag:s14] =	ssyncadd.s32 $0xFFFFC000  }
0x21: {  	[spmem:s3] =	stream.indirect.scatter.add.f32 [tilespmem:s13], [sflag:$0x2], $0x80, s12, s12, $0xb8;
	[tilespmem:$0x18100] =	vst v63  }
0x22: {  	_ =	swait.ge [sflag:s11], $0x4000  }
0x23: {  	s18 =	simm.s32 $0x20;
	s17 =	simm.s32 $0x10;
	[sflag:s11] =	ssyncset.done $0x0  }
.LBB2_2:
0x24: {  	s19 =	sadd.s32 s17, s9  }
0x25: {  	[sflag:s11] =	ssyncadd.s32 $0xFFFFC000;
	s20 =	smov.u32 s18;
	s21 =	sadd.s32 $0x10, s18  }
0x26: {  	[tilespmem:s4], [sflag:$0x2] =	stream.linear.gather [hbm4b:s19+s4], $0x80, $0x38;
	[tilespmem:$0x18100] =	vst v63  }
0x27: {  	p0 =	sne.s32 s18, $0x4E0;
	_ =	swait.ge [sflag:s11], $0x80  }
0x28: {  	[sflag:s11] =	ssyncset.done $0x0  }
0x29: {  	s18 =	sadd.s32 s17, s8;
	s17 =	smov.u32 s20;
	[sflag:s11] =	ssyncadd.s32 $0xFFFFFF80  }
0x2a: {  	[tilespmem:s12], [sflag:$0x2] =	stream.linear.gather [hbm4b:s18+s4], $0x80, $0x38;
	[tilespmem:$0x18100] =	vst v63  }
0x2b: {  	_ =	swait.ge [sflag:s11], $0x80  }
0x2c: {  	[sflag:s11] =	ssyncset.done $0x0  }
0x2d: {  	[sflag:s11] =	ssyncadd.s32 $0xFFFFFF80  }
0x2e: {  	[tilespmem:s13], [sflag:$0x1] =	stream.indirect.gather [hbm4b:s1+s12], $0x80, s4, s12, $0xb8;
	[tilespmem:$0x18100] =	vst v63  }
0x2f: {  	_ =	swait.ge [sflag:s14], $0x4000  }
.Ltmp0:
0x30: {  	[sflag:s14] =	ssyncset.done $0x0;
	(pc) =	sbr.rel @p0 .LBB2_2-.Ltmp0, $4  }
0x31: {  	[sflag:s14] =	ssyncadd.s32 $0xFFFFC000  }
0x32: {  	[spmem:s3] =	stream.indirect.scatter.add.f32 [tilespmem:s13], [sflag:$0x2], $0x80, s12, s12, $0xb8;
	[tilespmem:$0x18100] =	vst v63  }
0x33: {  	_ =	swait.ge [sflag:s11], $0x4000  }
0x34: {  	s18 =	smov.u32 s21;
	[sflag:s11] =	ssyncset.done $0x0  }
0x35: {  	s18 =	sadd.s32 s17, s9;
	[sflag:s11] =	ssyncadd.s32 $0xFFFFC000  }
0x36: {  	[tilespmem:s4], [sflag:$0x2] =	stream.linear.gather [hbm4b:s18+s4], $0x80, $0x38;
	[tilespmem:$0x18100] =	vst v63  }
0x37: {  	_ =	swait.ge [sflag:s11], $0x80  }
0x38: {  	[sflag:s11] =	ssyncset.done $0x0  }
0x39: {  	s31 =	sadd.s32 s17, s8;
	[sflag:s11] =	ssyncadd.s32 $0xFFFFFF80  }
0x3a: {  	[tilespmem:s12], [sflag:$0x2] =	stream.linear.gather [hbm4b:s31+s4], $0x80, $0x38;
	[tilespmem:$0x18100] =	vst v63  }
0x3b: {  	_ =	swait.ge [sflag:s11], $0x80  }
0x3c: {  	[sflag:s11] =	ssyncset.done $0x0  }
0x3d: {  	[sflag:s11] =	ssyncadd.s32 $0xFFFFFF80  }
0x3e: {  	[tilespmem:s13], [sflag:$0x1] =	stream.indirect.gather [hbm4b:s1+s12], $0x80, s4, s12, $0xb8;
	[tilespmem:$0x18100] =	vst v63  }
0x3f: {  	_ =	swait.ge [sflag:s14], $0x4000  }
0x40: {  	[sflag:s14] =	ssyncset.done $0x0  }
0x41: {  	[sflag:s14] =	ssyncadd.s32 $0xFFFFC000  }
0x42: {  	[spmem:s3] =	stream.indirect.scatter.add.f32 [tilespmem:s13], [sflag:$0x2], $0x80, s12, s12, $0xb8;
	[tilespmem:$0x18100] =	vst v63  }
0x43: {  	_ =	swait.ge [sflag:s11], $0x4000  }
0x44: {  	s16 =	sadd.s32 $0x1, s16;
	[sflag:s11] =	ssyncset.done $0x0  }
0x45: {  	p0 =	sne.s32 s16, s7;
	[sflag:s11] =	ssyncadd.s32 $0xFFFFC000  }
.Ltmp1:
0x46: {  	[bflag:$0x0] =	sbarrier.arrive $0xFFFF;
	(pc) =	sbr.rel @p0 .LBB2_1-.Ltmp1, $4  }
0x47: {  	[hbm:s15], [sflag:s6] =	dma.local [spmem:s10], $0x2800  }
0x48: {  	_ =	swait.ge [sflag:s11], $0x2800  }
0x49: {  	[sflag:s11] =	ssyncset.done $0x0  }
0x4a: {  	[sflag:s11] =	ssyncadd.s32 $0xFFFFD800  }
0x4b: {  	_ =	sfence.sel $0x180000  }
0x4c: {  	[bflag:$0x0] =	sbarrier.arrive $0xFFFF  }
0x4d: {  	p0 =	sne.s32 s2, $0x0;
	_ =	strace $0x9000004A  }
0x4e: {  	s0 =	sadd.s32 @!p0 $0x100000, s0;
	[bflag:$0x2] =	sbarrier.arrive $0xFFFF  }
0x4f: {  	[sflag:s0] =	ssyncadd.tile.s32 @!p0 $0x1;
	_ =	shalt  }
.Lfunc_end2:
_tile_overlayer_lowered:
.L_overlay_start_2:
0x50: {  	(tag) =	ssettag $0x2  }
0x51: {  	s0 =	rddreg [dreg:$0x0];
	s2 =	stileid.u32  }
0x52: {  	s1 =	rddreg [dreg:$0x1];
	p0 =	sne.s32 s2, $0x0  }
0x53: {  	s3 =	rddreg [dreg:$0x2];
	[bflag:$0x3] =	sbarrier.arrive $0xFFFF;
	s2 =	simm.s32 @!p0 $0x1C02  }
0x54: {  	[timem:s3], [sflag:s2] =	dma.local @!p0 [hbm:s0], s1  }
0x55: {  	s0 =	simm.s32 @!p0 $0x2  }
0x56: {  	_ =	swait.ge @!p0 [sflag:s0], s1  }
0x57: {  	s1 =	ssub.s32 @!p0 $0x0, s1;
	[sflag:s0] =	ssyncset.done @!p0 $0x0  }
0x58: {  	[sflag:s0] =	ssyncadd.s32 @!p0 s1  }
0x59: {  	[bflag:$0x3] =	sbarrier.arrive $0xFFFF  }
0x5a: {  	_ =	shalt  }

// kernel: kernel.18.cloned.1.call-start
scs
__scs_entry_jumppad:
0x0: {  	(pc) =	sbr.rel $0x88, $3  }
0x1: {  	(tag) =	ssettag $0x0;
	lr =	simm.s32 $0x1  }
0x2: {  	[smem:$0x3F90] =	sst lr;
	_ =	strace $0xD0000000  }
0x3: {  	_ = 	snop  }
0x4: {  	_ = 	snop  }
0x5: {  	_ = 	snop  }
0x6: {  	_ = 	snop  }
0x7: {  	_ = 	snop  }
__scs_overlays_trampoline_lowered:
0x8: {  	[smem:$0x3F9F] =	sst s0  }
0x9: {  	[smem:$0x3FA0] =	sst s1  }
0xa: {  	[smem:$0x3FA1] =	sst s2  }
0xb: {  	[smem:$0x3FA2] =	sst s3  }
0xc: {  	[smem:$0x3FA3] =	sst s4  }
0xd: {  	[smem:$0x3FA4] =	sst s5  }
0xe: {  	[smem:$0x3FA5] =	sst s6  }
0xf: {  	[smem:$0x3FA6] =	sst s7  }
0x10: {  	[smem:$0x3FA7] =	sst s8  }
0x11: {  	[smem:$0x3FA8] =	sst s9;
	s0 =	simm.s32 @!p0 $0x0  }
0x12: {  	s1 =	sld [smem:$0x3F8E];
	s0 =	simm.s32 @p0 $0x1  }
0x13: {  	[smem:$0x3FA9] =	sst s0;
	s0 =	simm.s32 @!p1 $0x0  }
0x14: {  	s2 =	sld [smem:$0x3F8D];
	s0 =	simm.s32 @p1 $0x1  }
0x15: {  	[smem:$0x3FAA] =	sst s0;
	s0 =	simm.s32 @!p2 $0x0  }
0x16: {  	s3 =	sld [smem:$0x3FDB];
	s0 =	simm.s32 @p2 $0x1  }
0x17: {  	s4 =	simm.s32 $0x1BF5;
	[smem:$0x3FAC] =	sst s0  }
0x18: {  	s0 =	sld [smem:$0x3F8F];
	_ =	swait.ge [sflag:s4], $0x0  }
0x19: {  	s7 =	sld [smem:$0x3F90]  }
0x1a: {  	s8 =	sadd.s32 $0xFFFFE003, lr  }
0x1b: {  	s9 =	sadd.s32 $0xFFFFFEF7, lr;
	s5 =	simm.s32 $0xFFFFFFFF;
	p2 =	slt.u32 s8, $0xFFFFF086  }
0x1c: {  	p1 =	slt.u32 s9, $0xF7A;
	s5 =	simm.s32 @!p2 $0x0  }
0x1d: {  	s5 =	simm.s32 @p1 $0x1;
	p0 =	seq.s32 s7, s2  }
0x1e: {  	s7 =	smul.u32 @!p0 $0xF7A, s2;
	p2 =	seq.s32 @!p0 s5, $0x0  }
0x1f: {  	s9 =	smul.u32 $0xF7A, s1;
	s8 =	simm.s32 @!p0 $0x1BF5;
	p2 =	por !p2, p0  }
0x20: {  	[sflag:s8] =	ssyncset.s32 @!p0 $0xFFFFF086;
	s6 =	sadd.s32 @!p0 s3, s7;
	s7 =	simm.s32 @!p0 $0x108  }
0x21: {  	s3 =	sadd.s32 s3, s9;
	s6 =	sadd.s32 @!p0 $0x88, s6;
	s7 =	simm.s32 @p2 $0x1082  }
0x22: {  	[simem:s7], [sflag:s8] =	dma.local @!p0 [hbm:s6], $0xF7A  }
0x23: {  	s9 =	sor.u32 $0xD0000000, s2;
	s6 =	simm.s32 $0x108;
	_ =	swait.ge @!p0 [sflag:s8], $0x0  }
0x24: {  	s3 =	sadd.s32 $0x88, s3;
	s6 =	simm.s32 @!p1 $0x1082;
	[sflag:s4] =	ssyncset.s32 $0xFFFFF086  }
0x25: {  	[simem:s6], [sflag:s4] =	dma.local [hbm:s3], $0xF7A  }
0x26: {  	[smem:$0x3F90] =	sst s1;
	(tag) =	ssettag s2;
	_ =	strace s9  }
0x27: {  	s1 =	sld [smem:$0x3FA0]  }
0x28: {  	s2 =	sld [smem:$0x3FA1]  }
0x29: {  	s4 =	sld [smem:$0x3FA3]  }
0x2a: {  	p0 =	seq.s32 s5, $0x0;
	s5 =	sld [smem:$0x3FA4]  }
0x2b: {  	s6 =	sld [smem:$0x3FA5]  }
0x2c: {  	s7 =	sld [smem:$0x3FA6]  }
0x2d: {  	s3 =	simm.s32 $0x108;
	s8 =	sld [smem:$0x3FA7]  }
0x2e: {  	s3 =	simm.s32 @!p0 $0x1082;
	s9 =	sld [smem:$0x3FA8]  }
0x2f: {  	lr =	sadd.s32 s0, s3;
	s0 =	sld [smem:$0x3F9F]  }
0x30: {  	s3 =	sld [smem:$0x3FA2]  }
0x31: {  	[smem:$0x3FAB] =	sst s10  }
0x32: {  	s10 =	sld [smem:$0x3FA9];
	_ =	sdelay $0x3  }
0x33: {  	p0 =	seq.s32 s10, $0x1;
	s10 =	sld [smem:$0x3FAB];
	_ =	sdelay $0x3  }
0x34: {  	[smem:$0x3FAB] =	sst s10  }
0x35: {  	s10 =	sld [smem:$0x3FAA];
	_ =	sdelay $0x3  }
0x36: {  	p1 =	seq.s32 s10, $0x1;
	s10 =	sld [smem:$0x3FAB];
	_ =	sdelay $0x3  }
0x37: {  	[smem:$0x3FAB] =	sst s10  }
0x38: {  	s10 =	sld [smem:$0x3FAC]  }
0x39: {  	_ = 	snop;
	(pc) =	sbr.ind lr, $3  }
0x3a: {  	_ = 	snop  }
0x3b: {  	_ = 	snop  }
0x3c: {  	p2 =	seq.s32 s10, $0x1;
	s10 =	sld [smem:$0x3FAB]  }
0x3d: {  	_ =	shalt  }
0x3e: {  	_ =	shalt  }
0x3f: {  	_ =	shalt  }
0x40: {  	_ =	shalt  }
0x41: {  	_ =	shalt  }
0x42: {  	_ =	shalt  }
0x43: {  	_ =	shalt  }
0x44: {  	_ =	shalt  }
0x45: {  	_ =	shalt  }
0x46: {  	_ =	shalt  }
0x47: {  	_ =	shalt  }
0x48: {  	_ =	shalt  }
0x49: {  	_ =	shalt  }
0x4a: {  	_ =	shalt  }
0x4b: {  	_ =	shalt  }
0x4c: {  	_ =	shalt  }
0x4d: {  	_ =	shalt  }
0x4e: {  	_ =	shalt  }
0x4f: {  	_ =	shalt  }
0x50: {  	_ =	shalt  }
0x51: {  	_ =	shalt  }
0x52: {  	_ =	shalt  }
0x53: {  	_ =	shalt  }
0x54: {  	_ =	shalt  }
0x55: {  	_ =	shalt  }
0x56: {  	_ =	shalt  }
0x57: {  	_ =	shalt  }
0x58: {  	_ =	shalt  }
0x59: {  	_ =	shalt  }
0x5a: {  	_ =	shalt  }
0x5b: {  	_ =	shalt  }
0x5c: {  	_ =	shalt  }
0x5d: {  	_ =	shalt  }
0x5e: {  	_ =	shalt  }
0x5f: {  	_ =	shalt  }
0x60: {  	_ =	shalt  }
0x61: {  	_ =	shalt  }
0x62: {  	_ =	shalt  }
0x63: {  	_ =	shalt  }
0x64: {  	_ =	shalt  }
0x65: {  	_ =	shalt  }
0x66: {  	_ =	shalt  }
0x67: {  	_ =	shalt  }
0x68: {  	_ =	shalt  }
0x69: {  	_ =	shalt  }
0x6a: {  	_ =	shalt  }
0x6b: {  	_ =	shalt  }
0x6c: {  	_ =	shalt  }
0x6d: {  	_ =	shalt  }
0x6e: {  	_ =	shalt  }
0x6f: {  	_ =	shalt  }
0x70: {  	_ =	shalt  }
0x71: {  	_ =	shalt  }
0x72: {  	_ =	shalt  }
0x73: {  	_ =	shalt  }
0x74: {  	_ =	shalt  }
0x75: {  	_ =	shalt  }
0x76: {  	_ =	shalt  }
0x77: {  	_ =	shalt  }
0x78: {  	_ =	shalt  }
0x79: {  	_ =	shalt  }
0x7a: {  	_ =	shalt  }
0x7b: {  	_ =	shalt  }
0x7c: {  	_ =	shalt  }
0x7d: {  	_ =	shalt  }
0x7e: {  	_ =	shalt  }
0x7f: {  	_ =	shalt  }
0x80: {  	_ =	shalt  }
0x81: {  	_ =	shalt  }
0x82: {  	_ =	shalt  }
0x83: {  	_ =	shalt  }
0x84: {  	_ =	shalt  }
0x85: {  	_ =	shalt  }
0x86: {  	_ =	shalt  }
0x87: {  	_ =	shalt  }
.Lfunc_end0:
.L_simem_size_0:
called_computation.2_lowered:
.L_overlay_start_0:
0x88: {  	s2 =	sld [smem:$0x3FD9]  }
0x89: {  	s3 =	sld [smem:$0x3FFE];
	_ =	sdelay $0x1  }
0x8a: {  	s1 =	srdreg.scid  }
0x8b: {  	s0 =	sand.u32 $0x1, s1  }
0x8c: {  	s17 =	sshll.u32 s0, $0xA;
	s2 =	sadd.s32 s3, s2  }
0x8d: {  	s2 =	sadd.s32 s2, s17  }
0x8e: {  	[smem:$0x3FB7] =	sst s2  }
0x8f: {  	_ = 	snop  }
0x90: {  	(tm) =	ssettm $0x1  }
0x91: {  	s18 =	sld [smem:$0x3FFB];
	_ =	sdelay $0x3  }
0x92: {  	_ =	strace s18  }
0x93: {  	s2 =	sld [smem:$0x3FFC];
	_ =	sdelay $0x3  }
0x94: {  	_ =	strace s2  }
0x95: {  	s2 =	sld [smem:$0x3FFD];
	_ =	sdelay $0x3  }
0x96: {  	_ =	strace s2  }
0x97: {  	_ =	strace $0x8FFFFFFF  }
0x98: {  	s19 =	sld [smem:$0x3FDB];
	_ =	sdelay $0x1  }
0x99: {  	s20 =	simm.s32 $_scs_section_size  }
0x9a: {  	s4 =	simm.s32 $_size__tile_overlayer_lowered;
	s5 =	simm.s32 $_tile_overlayer_lowered  }
0x9b: {  	s6 =	simm.s32 $0x1BFF;
	s21 =	sshll.u32 s5, $0x1;
	s3 =	sadd.s32 s20, s19  }
0x9c: {  	s22 =	simm.s32 $0x0;
	s4 =	sshll.u32 s4, $0x1;
	s5 =	sadd.s32 s21, s3  }
0x9d: {  	[timem:s22], [sflag:s6] =	dma.local [hbm:s5], s4  }
0x9e: {  	_ =	swait.ge [sflag:s6], s4  }
0x9f: {  	s4 =	ssub.s32 $0x0, s4;
	[sflag:s6] =	ssyncset.done $0x0  }
0xa0: {  	[sflag:s6] =	ssyncadd.s32 s4;
	_ =	sdelay $0x1  }
0xa1: {  	s23 =	simm.s32 $0x1B8B  }
0xa2: {  	_ =	swait.ge [sflag:s23], $0x1  }
0xa3: {  	[sflag:s23] =	ssyncset.done $0x0  }
0xa4: {  	[sflag:s23] =	ssyncadd.s32 $0xFFFFFFFF  }
0xa5: {  	s4 =	sld [smem:$0x0]  }
0xa6: {  	s5 =	sand.u32 $0xFFFFFFFE, s1  }
0xa7: {  	p0 =	sne.s32 s1, s5  }
0xa8: {  	s5 =	sshll.u32 @p0 s5, $0xE  }
0xa9: {  	s5 =	sadd.s32 @p0 $0x11B8D, s5;
	s6 =	sshll.u32 @p0 s4, $0x11  }
0xaa: {  	s5 =	sor.u32 @p0 s6, s5  }
0xab: {  	[sflag:s5] =	ssyncadd.remote.s32 @p0 $0x1;
	_ =	sdelay $0x1  }
0xac: {  	s5 =	simm.s32 @p0 $0x1B8D  }
0xad: {  	_ =	swait.eq @p0 [sflag:s5], $0x1  }
0xae: {  	[sflag:s5] =	ssyncadd.s32 @p0 $0xFFFFFFFF  }
0xaf: {  	s6 =	sshll.u32 @!p0 s1, $0xE  }
0xb0: {  	s6 =	sor.u32 @!p0 $0x4000, s6;
	s5 =	simm.s32 @!p0 $0x1B8D  }
0xb1: {  	s4 =	sshll.u32 @!p0 s4, $0x11;
	s6 =	sadd.s32 @!p0 $0x11B8D, s6;
	_ =	swait.eq @!p0 [sflag:s5], $0x1  }
0xb2: {  	s4 =	sor.u32 @!p0 s4, s6;
	[sflag:s5] =	ssyncadd.s32 @!p0 $0xFFFFFFFF  }
0xb3: {  	s25 =	simm.s32 $0x1B8E;
	s24 =	sld [smem:$0x3FFE];
	[sflag:s4] =	ssyncadd.remote.s32 @!p0 $0x1  }
0xb4: {  	s26 =	simm.s32 $execute0_lowered;
	[smem:$0x3FD2] =	sst s25  }
0xb5: {  	s5 =	sshll.u32 s26, $0x1;
	_ =	strace $0x8000004C;
	[dreg:$0x1] =	wrdreg $0xFFFFFFFF  }
0xb6: {  	s28 =	simm.s32 $_size_execute0_lowered;
	s3 =	sadd.s32 s3, s5;
	[dreg:$0x0] =	wrdreg $0x0  }
0xb7: {  	s5 =	sshll.u32 s28, $0x1;
	[dreg:$0x2] =	wrdreg s3  }
0xb8: {  	[dreg:$0x3] =	wrdreg s5  }
0xb9: {  	[dreg:$0x4] =	wrdreg $0xC0  }
0xba: {  	_ =	task [dreg:s22], $0x5FFFF  }
0xbb: {  	[dreg:$0x1] =	wrdreg $0xFFFFFFFF  }
0xbc: {  	[dreg:$0x0] =	wrdreg $0x60  }
0xbd: {  	[dreg:$0x2] =	wrdreg s24  }
0xbe: {  	[dreg:$0x3] =	wrdreg $0x41000  }
0xbf: {  	[dreg:$0x4] =	wrdreg $0xA  }
0xc0: {  	_ =	task.clear_ibuf [dreg:s22], $0x5FFFF;
	_ =	strace $0x9000004C  }
0xc1: {  	s29 =	simm.s32 $0xA;
	_ =	strace $0x8000004E  }
0xc2: {  	_ =	swait.ge [sflag:s29], $0x1  }
0xc3: {  	[sflag:s29] =	ssyncadd.s32 $0xFFFFFFFF  }
0xc4: {  	_ =	strace $0x9000004E  }
0xc5: {  	_ =	sfence  }
0xc6: {  	s30 =	sld [smem:$0x0];
	_ =	sdelay $0x2  }
0xc7: {  	s31 =	sshll.u32 s1, $0xD;
	s1 =	sshrl.u32 s1, $0x2  }
0xc8: {  	s4 =	sand.u32 $0x4000, s31;
	s1 =	sadd.s32 s1, s30  }
0xc9: {  	s0 =	sor.u32 s4, s0;
	s1 =	sshll.u32 s1, $0x11  }
0xca: {  	s0 =	sor.u32 s1, s0  }
0xcb: {  	s0 =	sadd.s32 $0x8F2B, s0  }
0xcc: {  	[sflag:s0] =	ssyncadd.remote.s32 $0x1  }
0xcd: {  	_ =	sfence.sel $0xFFFF  }
0xce: {  	[dreg:$0x0] =	wrdreg $0xFFFFFFFF;
	(pc) =	sbr.abs _section_cstart, $3  }
0xcf: {  	[dreg:$0x1] =	wrdreg $0xFFFFFFFF  }
0xd0: {  	_ =	task.clear_ibuf [dreg:s22], $0x2FFFF;
	_ =	strace $0x9FFFFFFF  }
0xd1: {  	(tm) =	ssettm $0x7FFFFFFF  }
tec
execute0_lowered:
.L_overlay_start_1:
0x0: {  	(tag) =	ssettag $0x1  }
0x1: {  	s6 =	rddreg [dreg:$0x0]  }
0x2: {  	s2 =	rddreg [dreg:$0x1]  }
0x3: {  	s0 =	rddreg [dreg:$0x2];
	s1 =	stileid.u32  }
0x4: {  	s3 =	simm.s32 $0x0;
	s4 =	srdreg.scid;
	s5 =	smul.u32 $0x9E0, s1  }
0x5: {  	s14 =	simm.s32 $0x1;
	[smem:$0x7FF] =	sst s3;
	s12 =	smul.u32 $0x50000, s1  }
0x6: {  	s7 =	sand.u32 $0x1, s4;
	s4 =	sadd.s32 $0x1A600, s6;
	s16 =	smul.u32 $0x2800, s1  }
0x7: {  	s29 =	sshll.u32 s1, $0x6;
	_ =	strace $0x8000004D;
	s8 =	smul.u32 $0x28000, s7  }
0x8: {  	s9 =	ssub.s32 $0x2, s7;
	s30 =	smul.u32 $0x4F0, s7;
	s10 =	sadd.s32 s5, s6  }
0x9: {  	s11 =	sshrl.u32 s9, $0x1;
	s5 =	sadd.s32 $0x17E00, s6;
	s28 =	sshrl.u32 s12, $0x2  }
0xa: {  	s12 =	simm.s32 $0x80;
	s8 =	sadd.s32 s8, s6;
	s9 =	ssub.s32 s9, s11  }
0xb: {  	s13 =	sadd.s32 s28, s2;
	s6 =	sor.u32 $0x1C02, s29;
	s31 =	sadd.s32 s30, s10  }
0xc: {  	s11 =	simm.s32 $0x2;
	s15 =	sadd.s32 $0xDFA00, s8;
	s7 =	smax.u32 s9, $0x1  }
0xd: {  	s8 =	sadd.s32 $0x4200, s31;
	s9 =	sadd.s32 $0xE000, s31;
	s10 =	sshrl.u32 s13, $0x3  }
0xe: {  	s13 =	simm.s32 $0x100;
	s15 =	sadd.s32 s16, s15;
	s16 =	simm.s32 $0x0  }
.LBB2_1:
0xf: {  	[spmem:s10], [sflag:s6] =	dma.local [hbm:s5], $0x2800  }
0x10: {  	_ =	swait.ge [sflag:s11], $0x2800  }
0x11: {  	[sflag:s11] =	ssyncset.done $0x0  }
0x12: {  	[sflag:s11] =	ssyncadd.s32 $0xFFFFD800  }
0x13: {  	s17 =	sadd.s32 $0x0, s9;
	[bflag:$0x0] =	sbarrier.arrive $0xFFFF  }
0x14: {  	[tilespmem:s3], [sflag:$0x2] =	stream.linear.gather [hbm4b:s17+s3], $0x80, $0x38;
	[tilespmem:$0x18100] =	vst v63  }
0x15: {  	_ =	swait.ge [sflag:s11], $0x80  }
0x16: {  	[sflag:s11] =	ssyncset.done $0x0  }
0x17: {  	s31 =	sadd.s32 $0x0, s8;
	[sflag:s11] =	ssyncadd.s32 $0xFFFFFF80  }
0x18: {  	[tilespmem:s12], [sflag:$0x2] =	stream.linear.gather [hbm4b:s31+s3], $0x80, $0x38;
	[tilespmem:$0x18100] =	vst v63  }
0x19: {  	_ =	swait.ge [sflag:s11], $0x80  }
0x1a: {  	[sflag:s11] =	ssyncset.done $0x0  }
0x1b: {  	[sflag:s11] =	ssyncadd.s32 $0xFFFFFF80  }
0x1c: {  	[tilespmem:s13], [sflag:$0x1] =	stream.indirect.gather [hbm4b:s4+s12], $0x80, s3, s12, $0xb8;
	[tilespmem:$0x18100] =	vst v63  }
0x1d: {  	_ =	swait.ge [sflag:s14], $0x4000  }
0x1e: {  	[sflag:s14] =	ssyncset.done $0x0  }
0x1f: {  	[sflag:s14] =	ssyncadd.s32 $0xFFFFC000  }
0x20: {  	[spmem:s2] =	stream.indirect.scatter.add.f32 [tilespmem:s13], [sflag:$0x2], $0x80, s12, s12, $0xb8;
	[tilespmem:$0x18100] =	vst v63  }
0x21: {  	_ =	swait.ge [sflag:s11], $0x4000  }
0x22: {  	s18 =	simm.s32 $0x20;
	s17 =	simm.s32 $0x10;
	[sflag:s11] =	ssyncset.done $0x0  }
.LBB2_2:
0x23: {  	s19 =	sadd.s32 s17, s9  }
0x24: {  	[sflag:s11] =	ssyncadd.s32 $0xFFFFC000;
	s20 =	smov.u32 s18;
	s21 =	sadd.s32 $0x10, s18  }
0x25: {  	[tilespmem:s3], [sflag:$0x2] =	stream.linear.gather [hbm4b:s19+s3], $0x80, $0x38;
	[tilespmem:$0x18100] =	vst v63  }
0x26: {  	p0 =	sne.s32 s18, $0x4E0;
	_ =	swait.ge [sflag:s11], $0x80  }
0x27: {  	[sflag:s11] =	ssyncset.done $0x0  }
0x28: {  	s18 =	sadd.s32 s17, s8;
	s17 =	smov.u32 s20;
	[sflag:s11] =	ssyncadd.s32 $0xFFFFFF80  }
0x29: {  	[tilespmem:s12], [sflag:$0x2] =	stream.linear.gather [hbm4b:s18+s3], $0x80, $0x38;
	[tilespmem:$0x18100] =	vst v63  }
0x2a: {  	_ =	swait.ge [sflag:s11], $0x80  }
0x2b: {  	[sflag:s11] =	ssyncset.done $0x0  }
0x2c: {  	[sflag:s11] =	ssyncadd.s32 $0xFFFFFF80  }
0x2d: {  	[tilespmem:s13], [sflag:$0x1] =	stream.indirect.gather [hbm4b:s4+s12], $0x80, s3, s12, $0xb8;
	[tilespmem:$0x18100] =	vst v63  }
0x2e: {  	_ =	swait.ge [sflag:s14], $0x4000  }
.Ltmp0:
0x2f: {  	[sflag:s14] =	ssyncset.done $0x0;
	(pc) =	sbr.rel @p0 .LBB2_2-.Ltmp0, $4  }
0x30: {  	[sflag:s14] =	ssyncadd.s32 $0xFFFFC000  }
0x31: {  	[spmem:s2] =	stream.indirect.scatter.add.f32 [tilespmem:s13], [sflag:$0x2], $0x80, s12, s12, $0xb8;
	[tilespmem:$0x18100] =	vst v63  }
0x32: {  	_ =	swait.ge [sflag:s11], $0x4000  }
0x33: {  	s18 =	smov.u32 s21;
	[sflag:s11] =	ssyncset.done $0x0  }
0x34: {  	s18 =	sadd.s32 s17, s9;
	[sflag:s11] =	ssyncadd.s32 $0xFFFFC000  }
0x35: {  	[tilespmem:s3], [sflag:$0x2] =	stream.linear.gather [hbm4b:s18+s3], $0x80, $0x38;
	[tilespmem:$0x18100] =	vst v63  }
0x36: {  	_ =	swait.ge [sflag:s11], $0x80  }
0x37: {  	[sflag:s11] =	ssyncset.done $0x0  }
0x38: {  	s31 =	sadd.s32 s17, s8;
	[sflag:s11] =	ssyncadd.s32 $0xFFFFFF80  }
0x39: {  	[tilespmem:s12], [sflag:$0x2] =	stream.linear.gather [hbm4b:s31+s3], $0x80, $0x38;
	[tilespmem:$0x18100] =	vst v63  }
0x3a: {  	_ =	swait.ge [sflag:s11], $0x80  }
0x3b: {  	[sflag:s11] =	ssyncset.done $0x0  }
0x3c: {  	[sflag:s11] =	ssyncadd.s32 $0xFFFFFF80  }
0x3d: {  	[tilespmem:s13], [sflag:$0x1] =	stream.indirect.gather [hbm4b:s4+s12], $0x80, s3, s12, $0xb8;
	[tilespmem:$0x18100] =	vst v63  }
0x3e: {  	_ =	swait.ge [sflag:s14], $0x4000  }
0x3f: {  	[sflag:s14] =	ssyncset.done $0x0  }
0x40: {  	[sflag:s14] =	ssyncadd.s32 $0xFFFFC000  }
0x41: {  	[spmem:s2] =	stream.indirect.scatter.add.f32 [tilespmem:s13], [sflag:$0x2], $0x80, s12, s12, $0xb8;
	[tilespmem:$0x18100] =	vst v63  }
0x42: {  	_ =	swait.ge [sflag:s11], $0x4000  }
0x43: {  	s16 =	sadd.s32 $0x1, s16;
	[sflag:s11] =	ssyncset.done $0x0  }
0x44: {  	p0 =	sne.s32 s16, s7;
	[sflag:s11] =	ssyncadd.s32 $0xFFFFC000  }
.Ltmp1:
0x45: {  	[bflag:$0x0] =	sbarrier.arrive $0xFFFF;
	(pc) =	sbr.rel @p0 .LBB2_1-.Ltmp1, $4  }
0x46: {  	[hbm:s15], [sflag:s6] =	dma.local [spmem:s10], $0x2800  }
0x47: {  	_ =	swait.ge [sflag:s11], $0x2800  }
0x48: {  	[sflag:s11] =	ssyncset.done $0x0  }
0x49: {  	[sflag:s11] =	ssyncadd.s32 $0xFFFFD800  }
0x4a: {  	_ =	sfence.sel $0x180000  }
0x4b: {  	[bflag:$0x0] =	sbarrier.arrive $0xFFFF  }
0x4c: {  	p0 =	sne.s32 s1, $0x0;
	_ =	strace $0x9000004D  }
0x4d: {  	s0 =	sadd.s32 @!p0 $0x100000, s0;
	[bflag:$0x2] =	sbarrier.arrive $0xFFFF  }
0x4e: {  	[sflag:s0] =	ssyncadd.tile.s32 @!p0 $0x1;
	_ =	shalt  }
.Lfunc_end2:
_tile_overlayer_lowered:
.L_overlay_start_2:
0x4f: {  	(tag) =	ssettag $0x2  }
0x50: {  	s0 =	rddreg [dreg:$0x0];
	s2 =	stileid.u32  }
0x51: {  	s1 =	rddreg [dreg:$0x1];
	p0 =	sne.s32 s2, $0x0  }
0x52: {  	s3 =	rddreg [dreg:$0x2];
	[bflag:$0x3] =	sbarrier.arrive $0xFFFF;
	s2 =	simm.s32 @!p0 $0x1C02  }
0x53: {  	[timem:s3], [sflag:s2] =	dma.local @!p0 [hbm:s0], s1  }
0x54: {  	s0 =	simm.s32 @!p0 $0x2  }
0x55: {  	_ =	swait.ge @!p0 [sflag:s0], s1  }
0x56: {  	s1 =	ssub.s32 @!p0 $0x0, s1;
	[sflag:s0] =	ssyncset.done @!p0 $0x0  }
0x57: {  	[sflag:s0] =	ssyncadd.s32 @!p0 s1  }
0x58: {  	[bflag:$0x3] =	sbarrier.arrive $0xFFFF  }
0x59: {  	_ =	shalt  }

// kernel: kernel.21.cloned.1.call-start
scs
__scs_entry_jumppad:
0x0: {  	(pc) =	sbr.rel $0x88, $3  }
0x1: {  	(tag) =	ssettag $0x0;
	lr =	simm.s32 $0x1  }
0x2: {  	[smem:$0x3F90] =	sst lr;
	_ =	strace $0xD0000000  }
0x3: {  	_ = 	snop  }
0x4: {  	_ = 	snop  }
0x5: {  	_ = 	snop  }
0x6: {  	_ = 	snop  }
0x7: {  	_ = 	snop  }
__scs_overlays_trampoline_lowered:
0x8: {  	[smem:$0x3F9F] =	sst s0  }
0x9: {  	[smem:$0x3FA0] =	sst s1  }
0xa: {  	[smem:$0x3FA1] =	sst s2  }
0xb: {  	[smem:$0x3FA2] =	sst s3  }
0xc: {  	[smem:$0x3FA3] =	sst s4  }
0xd: {  	[smem:$0x3FA4] =	sst s5  }
0xe: {  	[smem:$0x3FA5] =	sst s6  }
0xf: {  	[smem:$0x3FA6] =	sst s7  }
0x10: {  	[smem:$0x3FA7] =	sst s8  }
0x11: {  	[smem:$0x3FA8] =	sst s9;
	s0 =	simm.s32 @!p0 $0x0  }
0x12: {  	s1 =	sld [smem:$0x3F8E];
	s0 =	simm.s32 @p0 $0x1  }
0x13: {  	[smem:$0x3FA9] =	sst s0;
	s0 =	simm.s32 @!p1 $0x0  }
0x14: {  	s2 =	sld [smem:$0x3F8D];
	s0 =	simm.s32 @p1 $0x1  }
0x15: {  	[smem:$0x3FAA] =	sst s0;
	s0 =	simm.s32 @!p2 $0x0  }
0x16: {  	s3 =	sld [smem:$0x3FDB];
	s0 =	simm.s32 @p2 $0x1  }
0x17: {  	s4 =	simm.s32 $0x1BF5;
	[smem:$0x3FAC] =	sst s0  }
0x18: {  	s0 =	sld [smem:$0x3F8F];
	_ =	swait.ge [sflag:s4], $0x0  }
0x19: {  	s7 =	sld [smem:$0x3F90]  }
0x1a: {  	s8 =	sadd.s32 $0xFFFFE003, lr  }
0x1b: {  	s9 =	sadd.s32 $0xFFFFFEF7, lr;
	s5 =	simm.s32 $0xFFFFFFFF;
	p2 =	slt.u32 s8, $0xFFFFF086  }
0x1c: {  	p1 =	slt.u32 s9, $0xF7A;
	s5 =	simm.s32 @!p2 $0x0  }
0x1d: {  	s5 =	simm.s32 @p1 $0x1;
	p0 =	seq.s32 s7, s2  }
0x1e: {  	s7 =	smul.u32 @!p0 $0xF7A, s2;
	p2 =	seq.s32 @!p0 s5, $0x0  }
0x1f: {  	s9 =	smul.u32 $0xF7A, s1;
	s8 =	simm.s32 @!p0 $0x1BF5;
	p2 =	por !p2, p0  }
0x20: {  	[sflag:s8] =	ssyncset.s32 @!p0 $0xFFFFF086;
	s6 =	sadd.s32 @!p0 s3, s7;
	s7 =	simm.s32 @!p0 $0x108  }
0x21: {  	s3 =	sadd.s32 s3, s9;
	s6 =	sadd.s32 @!p0 $0x88, s6;
	s7 =	simm.s32 @p2 $0x1082  }
0x22: {  	[simem:s7], [sflag:s8] =	dma.local @!p0 [hbm:s6], $0xF7A  }
0x23: {  	s9 =	sor.u32 $0xD0000000, s2;
	s6 =	simm.s32 $0x108;
	_ =	swait.ge @!p0 [sflag:s8], $0x0  }
0x24: {  	s3 =	sadd.s32 $0x88, s3;
	s6 =	simm.s32 @!p1 $0x1082;
	[sflag:s4] =	ssyncset.s32 $0xFFFFF086  }
0x25: {  	[simem:s6], [sflag:s4] =	dma.local [hbm:s3], $0xF7A  }
0x26: {  	[smem:$0x3F90] =	sst s1;
	(tag) =	ssettag s2;
	_ =	strace s9  }
0x27: {  	s1 =	sld [smem:$0x3FA0]  }
0x28: {  	s2 =	sld [smem:$0x3FA1]  }
0x29: {  	s4 =	sld [smem:$0x3FA3]  }
0x2a: {  	p0 =	seq.s32 s5, $0x0;
	s5 =	sld [smem:$0x3FA4]  }
0x2b: {  	s6 =	sld [smem:$0x3FA5]  }
0x2c: {  	s7 =	sld [smem:$0x3FA6]  }
0x2d: {  	s3 =	simm.s32 $0x108;
	s8 =	sld [smem:$0x3FA7]  }
0x2e: {  	s3 =	simm.s32 @!p0 $0x1082;
	s9 =	sld [smem:$0x3FA8]  }
0x2f: {  	lr =	sadd.s32 s0, s3;
	s0 =	sld [smem:$0x3F9F]  }
0x30: {  	s3 =	sld [smem:$0x3FA2]  }
0x31: {  	[smem:$0x3FAB] =	sst s10  }
0x32: {  	s10 =	sld [smem:$0x3FA9];
	_ =	sdelay $0x3  }
0x33: {  	p0 =	seq.s32 s10, $0x1;
	s10 =	sld [smem:$0x3FAB];
	_ =	sdelay $0x3  }
0x34: {  	[smem:$0x3FAB] =	sst s10  }
0x35: {  	s10 =	sld [smem:$0x3FAA];
	_ =	sdelay $0x3  }
0x36: {  	p1 =	seq.s32 s10, $0x1;
	s10 =	sld [smem:$0x3FAB];
	_ =	sdelay $0x3  }
0x37: {  	[smem:$0x3FAB] =	sst s10  }
0x38: {  	s10 =	sld [smem:$0x3FAC]  }
0x39: {  	_ = 	snop;
	(pc) =	sbr.ind lr, $3  }
0x3a: {  	_ = 	snop  }
0x3b: {  	_ = 	snop  }
0x3c: {  	p2 =	seq.s32 s10, $0x1;
	s10 =	sld [smem:$0x3FAB]  }
0x3d: {  	_ =	shalt  }
0x3e: {  	_ =	shalt  }
0x3f: {  	_ =	shalt  }
0x40: {  	_ =	shalt  }
0x41: {  	_ =	shalt  }
0x42: {  	_ =	shalt  }
0x43: {  	_ =	shalt  }
0x44: {  	_ =	shalt  }
0x45: {  	_ =	shalt  }
0x46: {  	_ =	shalt  }
0x47: {  	_ =	shalt  }
0x48: {  	_ =	shalt  }
0x49: {  	_ =	shalt  }
0x4a: {  	_ =	shalt  }
0x4b: {  	_ =	shalt  }
0x4c: {  	_ =	shalt  }
0x4d: {  	_ =	shalt  }
0x4e: {  	_ =	shalt  }
0x4f: {  	_ =	shalt  }
0x50: {  	_ =	shalt  }
0x51: {  	_ =	shalt  }
0x52: {  	_ =	shalt  }
0x53: {  	_ =	shalt  }
0x54: {  	_ =	shalt  }
0x55: {  	_ =	shalt  }
0x56: {  	_ =	shalt  }
0x57: {  	_ =	shalt  }
0x58: {  	_ =	shalt  }
0x59: {  	_ =	shalt  }
0x5a: {  	_ =	shalt  }
0x5b: {  	_ =	shalt  }
0x5c: {  	_ =	shalt  }
0x5d: {  	_ =	shalt  }
0x5e: {  	_ =	shalt  }
0x5f: {  	_ =	shalt  }
0x60: {  	_ =	shalt  }
0x61: {  	_ =	shalt  }
0x62: {  	_ =	shalt  }
0x63: {  	_ =	shalt  }
0x64: {  	_ =	shalt  }
0x65: {  	_ =	shalt  }
0x66: {  	_ =	shalt  }
0x67: {  	_ =	shalt  }
0x68: {  	_ =	shalt  }
0x69: {  	_ =	shalt  }
0x6a: {  	_ =	shalt  }
0x6b: {  	_ =	shalt  }
0x6c: {  	_ =	shalt  }
0x6d: {  	_ =	shalt  }
0x6e: {  	_ =	shalt  }
0x6f: {  	_ =	shalt  }
0x70: {  	_ =	shalt  }
0x71: {  	_ =	shalt  }
0x72: {  	_ =	shalt  }
0x73: {  	_ =	shalt  }
0x74: {  	_ =	shalt  }
0x75: {  	_ =	shalt  }
0x76: {  	_ =	shalt  }
0x77: {  	_ =	shalt  }
0x78: {  	_ =	shalt  }
0x79: {  	_ =	shalt  }
0x7a: {  	_ =	shalt  }
0x7b: {  	_ =	shalt  }
0x7c: {  	_ =	shalt  }
0x7d: {  	_ =	shalt  }
0x7e: {  	_ =	shalt  }
0x7f: {  	_ =	shalt  }
0x80: {  	_ =	shalt  }
0x81: {  	_ =	shalt  }
0x82: {  	_ =	shalt  }
0x83: {  	_ =	shalt  }
0x84: {  	_ =	shalt  }
0x85: {  	_ =	shalt  }
0x86: {  	_ =	shalt  }
0x87: {  	_ =	shalt  }
.Lfunc_end0:
.L_simem_size_0:
called_computation.3_lowered:
.L_overlay_start_0:
0x88: {  	s2 =	sld [smem:$0x3FD9]  }
0x89: {  	s3 =	sld [smem:$0x3FFE];
	_ =	sdelay $0x1  }
0x8a: {  	s1 =	srdreg.scid  }
0x8b: {  	s0 =	sand.u32 $0x1, s1  }
0x8c: {  	s17 =	sshll.u32 s0, $0xA;
	s2 =	sadd.s32 s3, s2  }
0x8d: {  	s2 =	sadd.s32 s2, s17  }
0x8e: {  	[smem:$0x3FB7] =	sst s2  }
0x8f: {  	_ = 	snop  }
0x90: {  	s2 =	sld [smem:$0x3FD0];
	(tm) =	ssettm $0x1  }
0x91: {  	s18 =	sld [smem:$0x3FFB];
	_ =	sdelay $0x3  }
0x92: {  	_ =	strace s18  }
0x93: {  	s3 =	sld [smem:$0x3FFC];
	_ =	sdelay $0x3  }
0x94: {  	_ =	strace s3  }
0x95: {  	s3 =	sld [smem:$0x3FFD];
	_ =	sdelay $0x3  }
0x96: {  	_ =	strace s3  }
0x97: {  	_ =	strace $0x8FFFFFFF  }
0x98: {  	s19 =	sld [smem:$0x3FDB];
	_ =	sdelay $0x1  }
0x99: {  	s4 =	simm.s32 $_scs_section_size  }
0x9a: {  	s5 =	simm.s32 $_size__tile_overlayer_lowered;
	s6 =	simm.s32 $_tile_overlayer_lowered  }
0x9b: {  	s22 =	simm.s32 $0x1BFF;
	s21 =	sshll.u32 s6, $0x1;
	s3 =	sadd.s32 s4, s19  }
0x9c: {  	s7 =	simm.s32 $0x0;
	s20 =	sshll.u32 s5, $0x1;
	s5 =	sadd.s32 s21, s3  }
0x9d: {  	[timem:s7], [sflag:s22] =	dma.local [hbm:s5], s20  }
0x9e: {  	_ =	swait.ge [sflag:s22], s20  }
0x9f: {  	s4 =	ssub.s32 $0x0, s20;
	[sflag:s22] =	ssyncset.done $0x0  }
0xa0: {  	[sflag:s22] =	ssyncadd.s32 s4;
	_ =	sdelay $0x1  }
0xa1: {  	s23 =	simm.s32 $0x1B8B  }
0xa2: {  	_ =	swait.ge [sflag:s23], $0x1  }
0xa3: {  	[sflag:s23] =	ssyncset.done $0x0  }
0xa4: {  	s25 =	simm.s32 $0x1B8E;
	s24 =	sld [smem:$0x3FFE];
	[sflag:s23] =	ssyncadd.s32 $0xFFFFFFFF  }
0xa5: {  	s26 =	simm.s32 $execute0_lowered;
	[smem:$0x3FD2] =	sst s25  }
0xa6: {  	s5 =	sshll.u32 s26, $0x1;
	_ =	strace $0x8000004F;
	[dreg:$0x1] =	wrdreg $0xFFFFFFFF  }
0xa7: {  	s28 =	simm.s32 $_size_execute0_lowered;
	s3 =	sadd.s32 s3, s5;
	[dreg:$0x0] =	wrdreg $0x0  }
0xa8: {  	s5 =	sshll.u32 s28, $0x1;
	[dreg:$0x2] =	wrdreg s3  }
0xa9: {  	[dreg:$0x3] =	wrdreg s5  }
0xaa: {  	[dreg:$0x4] =	wrdreg $0xC0  }
0xab: {  	_ =	task [dreg:s7], $0x5FFFF  }
0xac: {  	[dreg:$0x1] =	wrdreg $0xFFFFFFFF  }
0xad: {  	[dreg:$0x0] =	wrdreg $0x60  }
0xae: {  	[dreg:$0x2] =	wrdreg s2  }
0xaf: {  	[dreg:$0x3] =	wrdreg s24  }
0xb0: {  	[dreg:$0x4] =	wrdreg $0x41000  }
0xb1: {  	[dreg:$0x5] =	wrdreg $0x9  }
0xb2: {  	_ =	task.clear_ibuf [dreg:s7], $0x6FFFF;
	_ =	strace $0x9000004F  }
0xb3: {  	s29 =	simm.s32 $0x9;
	_ =	strace $0x80000051  }
0xb4: {  	_ =	swait.ge [sflag:s29], $0x1  }
0xb5: {  	[sflag:s29] =	ssyncadd.s32 $0xFFFFFFFF  }
0xb6: {  	_ =	strace $0x90000051  }
0xb7: {  	_ =	sfence  }
0xb8: {  	s30 =	sld [smem:$0x0];
	_ =	sdelay $0x2  }
0xb9: {  	s31 =	sshll.u32 s1, $0xD;
	s1 =	sshrl.u32 s1, $0x2  }
0xba: {  	s3 =	sand.u32 $0x4000, s31;
	s1 =	sadd.s32 s1, s30  }
0xbb: {  	s0 =	sor.u32 s3, s0;
	s1 =	sshll.u32 s1, $0x11  }
0xbc: {  	s0 =	sor.u32 s1, s0  }
0xbd: {  	s0 =	sadd.s32 $0x8F2B, s0  }
0xbe: {  	[sflag:s0] =	ssyncadd.remote.s32 $0x1  }
0xbf: {  	_ =	sfence.sel $0xFFFF  }
0xc0: {  	[dreg:$0x0] =	wrdreg $0xFFFFFFFF;
	(pc) =	sbr.abs _section_cstart, $3  }
0xc1: {  	[dreg:$0x1] =	wrdreg $0xFFFFFFFF  }
0xc2: {  	_ =	task.clear_ibuf [dreg:s7], $0x2FFFF;
	_ =	strace $0x9FFFFFFF  }
0xc3: {  	(tm) =	ssettm $0x7FFFFFFF  }
tec
execute0_lowered:
.L_overlay_start_1:
0x0: {  	(tag) =	ssettag $0x1  }
0x1: {  	s1 =	rddreg [dreg:$0x0]  }
0x2: {  	s6 =	rddreg [dreg:$0x1]  }
0x3: {  	s3 =	rddreg [dreg:$0x2]  }
0x4: {  	s0 =	rddreg [dreg:$0x3]  }
0x5: {  	s4 =	simm.s32 $0x0;
	s2 =	stileid.u32;
	s5 =	srdreg.scid  }
0x6: {  	s13 =	simm.s32 $0x100;
	s14 =	simm.s32 $0x1;
	s7 =	smul.u32 $0x9E0, s2  }
0x7: {  	[smem:$0x7FF] =	sst s4;
	s8 =	sand.u32 $0x1, s5;
	s12 =	smul.u32 $0x50000, s2  }
0x8: {  	s5 =	sadd.s32 $0x17E00, s6;
	s30 =	sshll.u32 s2, $0x6;
	s16 =	smul.u32 $0x2800, s2  }
0x9: {  	_ =	strace $0x80000050;
	s9 =	smul.u32 $0x28000, s8;
	s10 =	ssub.s32 $0x2, s8  }
0xa: {  	s8 =	smul.u32 $0x4F0, s8;
	s11 =	sadd.s32 s7, s6;
	s28 =	sshrl.u32 s10, $0x1  }
0xb: {  	s29 =	sshrl.u32 s12, $0x2;
	s9 =	sadd.s32 s9, s6;
	s7 =	ssub.s32 s10, s28  }
0xc: {  	s12 =	sadd.s32 s29, s3;
	s6 =	sor.u32 $0x1C02, s30;
	s31 =	sadd.s32 s8, s11  }
0xd: {  	s11 =	simm.s32 $0x2;
	s15 =	sadd.s32 $0x1A600, s9;
	s7 =	smax.u32 s7, $0x1  }
0xe: {  	s8 =	sadd.s32 $0x4200, s31;
	s9 =	sadd.s32 $0xE000, s31;
	s10 =	sshrl.u32 s12, $0x3  }
0xf: {  	s12 =	simm.s32 $0x80;
	s15 =	sadd.s32 s16, s15;
	s16 =	simm.s32 $0x0  }
.LBB2_1:
0x10: {  	[spmem:s10], [sflag:s6] =	dma.local [hbm:s5], $0x2800  }
0x11: {  	_ =	swait.ge [sflag:s11], $0x2800  }
0x12: {  	[sflag:s11] =	ssyncset.done $0x0  }
0x13: {  	[sflag:s11] =	ssyncadd.s32 $0xFFFFD800  }
0x14: {  	s17 =	sadd.s32 $0x0, s9;
	[bflag:$0x0] =	sbarrier.arrive $0xFFFF  }
0x15: {  	[tilespmem:s4], [sflag:$0x2] =	stream.linear.gather [hbm4b:s17+s4], $0x80, $0x38;
	[tilespmem:$0x18100] =	vst v63  }
0x16: {  	_ =	swait.ge [sflag:s11], $0x80  }
0x17: {  	[sflag:s11] =	ssyncset.done $0x0  }
0x18: {  	s31 =	sadd.s32 $0x0, s8;
	[sflag:s11] =	ssyncadd.s32 $0xFFFFFF80  }
0x19: {  	[tilespmem:s12], [sflag:$0x2] =	stream.linear.gather [hbm4b:s31+s4], $0x80, $0x38;
	[tilespmem:$0x18100] =	vst v63  }
0x1a: {  	_ =	swait.ge [sflag:s11], $0x80  }
0x1b: {  	[sflag:s11] =	ssyncset.done $0x0  }
0x1c: {  	[sflag:s11] =	ssyncadd.s32 $0xFFFFFF80  }
0x1d: {  	[tilespmem:s13], [sflag:$0x1] =	stream.indirect.gather [hbm4b:s1+s12], $0x80, s4, s12, $0xb8;
	[tilespmem:$0x18100] =	vst v63  }
0x1e: {  	_ =	swait.ge [sflag:s14], $0x4000  }
0x1f: {  	[sflag:s14] =	ssyncset.done $0x0  }
0x20: {  	[sflag:s14] =	ssyncadd.s32 $0xFFFFC000  }
0x21: {  	[spmem:s3] =	stream.indirect.scatter.add.f32 [tilespmem:s13], [sflag:$0x2], $0x80, s12, s12, $0xb8;
	[tilespmem:$0x18100] =	vst v63  }
0x22: {  	_ =	swait.ge [sflag:s11], $0x4000  }
0x23: {  	s18 =	simm.s32 $0x20;
	s17 =	simm.s32 $0x10;
	[sflag:s11] =	ssyncset.done $0x0  }
.LBB2_2:
0x24: {  	s19 =	sadd.s32 s17, s9  }
0x25: {  	[sflag:s11] =	ssyncadd.s32 $0xFFFFC000;
	s20 =	smov.u32 s18;
	s21 =	sadd.s32 $0x10, s18  }
0x26: {  	[tilespmem:s4], [sflag:$0x2] =	stream.linear.gather [hbm4b:s19+s4], $0x80, $0x38;
	[tilespmem:$0x18100] =	vst v63  }
0x27: {  	p0 =	sne.s32 s18, $0x4E0;
	_ =	swait.ge [sflag:s11], $0x80  }
0x28: {  	[sflag:s11] =	ssyncset.done $0x0  }
0x29: {  	s18 =	sadd.s32 s17, s8;
	s17 =	smov.u32 s20;
	[sflag:s11] =	ssyncadd.s32 $0xFFFFFF80  }
0x2a: {  	[tilespmem:s12], [sflag:$0x2] =	stream.linear.gather [hbm4b:s18+s4], $0x80, $0x38;
	[tilespmem:$0x18100] =	vst v63  }
0x2b: {  	_ =	swait.ge [sflag:s11], $0x80  }
0x2c: {  	[sflag:s11] =	ssyncset.done $0x0  }
0x2d: {  	[sflag:s11] =	ssyncadd.s32 $0xFFFFFF80  }
0x2e: {  	[tilespmem:s13], [sflag:$0x1] =	stream.indirect.gather [hbm4b:s1+s12], $0x80, s4, s12, $0xb8;
	[tilespmem:$0x18100] =	vst v63  }
0x2f: {  	_ =	swait.ge [sflag:s14], $0x4000  }
.Ltmp0:
0x30: {  	[sflag:s14] =	ssyncset.done $0x0;
	(pc) =	sbr.rel @p0 .LBB2_2-.Ltmp0, $4  }
0x31: {  	[sflag:s14] =	ssyncadd.s32 $0xFFFFC000  }
0x32: {  	[spmem:s3] =	stream.indirect.scatter.add.f32 [tilespmem:s13], [sflag:$0x2], $0x80, s12, s12, $0xb8;
	[tilespmem:$0x18100] =	vst v63  }
0x33: {  	_ =	swait.ge [sflag:s11], $0x4000  }
0x34: {  	s18 =	smov.u32 s21;
	[sflag:s11] =	ssyncset.done $0x0  }
0x35: {  	s18 =	sadd.s32 s17, s9;
	[sflag:s11] =	ssyncadd.s32 $0xFFFFC000  }
0x36: {  	[tilespmem:s4], [sflag:$0x2] =	stream.linear.gather [hbm4b:s18+s4], $0x80, $0x38;
	[tilespmem:$0x18100] =	vst v63  }
0x37: {  	_ =	swait.ge [sflag:s11], $0x80  }
0x38: {  	[sflag:s11] =	ssyncset.done $0x0  }
0x39: {  	s31 =	sadd.s32 s17, s8;
	[sflag:s11] =	ssyncadd.s32 $0xFFFFFF80  }
0x3a: {  	[tilespmem:s12], [sflag:$0x2] =	stream.linear.gather [hbm4b:s31+s4], $0x80, $0x38;
	[tilespmem:$0x18100] =	vst v63  }
0x3b: {  	_ =	swait.ge [sflag:s11], $0x80  }
0x3c: {  	[sflag:s11] =	ssyncset.done $0x0  }
0x3d: {  	[sflag:s11] =	ssyncadd.s32 $0xFFFFFF80  }
0x3e: {  	[tilespmem:s13], [sflag:$0x1] =	stream.indirect.gather [hbm4b:s1+s12], $0x80, s4, s12, $0xb8;
	[tilespmem:$0x18100] =	vst v63  }
0x3f: {  	_ =	swait.ge [sflag:s14], $0x4000  }
0x40: {  	[sflag:s14] =	ssyncset.done $0x0  }
0x41: {  	[sflag:s14] =	ssyncadd.s32 $0xFFFFC000  }
0x42: {  	[spmem:s3] =	stream.indirect.scatter.add.f32 [tilespmem:s13], [sflag:$0x2], $0x80, s12, s12, $0xb8;
	[tilespmem:$0x18100] =	vst v63  }
0x43: {  	_ =	swait.ge [sflag:s11], $0x4000  }
0x44: {  	s16 =	sadd.s32 $0x1, s16;
	[sflag:s11] =	ssyncset.done $0x0  }
0x45: {  	p0 =	sne.s32 s16, s7;
	[sflag:s11] =	ssyncadd.s32 $0xFFFFC000  }
.Ltmp1:
0x46: {  	[bflag:$0x0] =	sbarrier.arrive $0xFFFF;
	(pc) =	sbr.rel @p0 .LBB2_1-.Ltmp1, $4  }
0x47: {  	[hbm:s15], [sflag:s6] =	dma.local [spmem:s10], $0x2800  }
0x48: {  	_ =	swait.ge [sflag:s11], $0x2800  }
0x49: {  	[sflag:s11] =	ssyncset.done $0x0  }
0x4a: {  	[sflag:s11] =	ssyncadd.s32 $0xFFFFD800  }
0x4b: {  	_ =	sfence.sel $0x180000  }
0x4c: {  	[bflag:$0x0] =	sbarrier.arrive $0xFFFF  }
0x4d: {  	p0 =	sne.s32 s2, $0x0;
	_ =	strace $0x90000050  }
0x4e: {  	s0 =	sadd.s32 @!p0 $0x100000, s0;
	[bflag:$0x2] =	sbarrier.arrive $0xFFFF  }
0x4f: {  	[sflag:s0] =	ssyncadd.tile.s32 @!p0 $0x1;
	_ =	shalt  }
.Lfunc_end2:
_tile_overlayer_lowered:
.L_overlay_start_2:
0x50: {  	(tag) =	ssettag $0x2  }
0x51: {  	s0 =	rddreg [dreg:$0x0];
	s2 =	stileid.u32  }
0x52: {  	s1 =	rddreg [dreg:$0x1];
	p0 =	sne.s32 s2, $0x0  }
0x53: {  	s3 =	rddreg [dreg:$0x2];
	[bflag:$0x3] =	sbarrier.arrive $0xFFFF;
	s2 =	simm.s32 @!p0 $0x1C02  }
0x54: {  	[timem:s3], [sflag:s2] =	dma.local @!p0 [hbm:s0], s1  }
0x55: {  	s0 =	simm.s32 @!p0 $0x2  }
0x56: {  	_ =	swait.ge @!p0 [sflag:s0], s1  }
0x57: {  	s1 =	ssub.s32 @!p0 $0x0, s1;
	[sflag:s0] =	ssyncset.done @!p0 $0x0  }
0x58: {  	[sflag:s0] =	ssyncadd.s32 @!p0 s1  }
0x59: {  	[bflag:$0x3] =	sbarrier.arrive $0xFFFF  }
0x5a: {  	_ =	shalt  }

</sc_bundles>
